<compile_context>
chip_gen: v7x
topology: tpu7x:2x2x1
jax: 0.10.2.dev20260603
libtpu: 0.0.44.dev20260713+nightly
codegen_flags: <defaults>
</compile_context>

<pallas_src>
import functools

import jax
import jax.numpy as jnp
from jax import lax
from jax.experimental import pallas as pl
from jax.experimental.pallas import tpu as pltpu
from jax.experimental.pallas import tpu_sc as plsc

EMBED_DIM = 32
NUM_CORES = 2
NUM_SUBCORES = 16
NW = NUM_CORES * NUM_SUBCORES
IDX_LANE = 128
L = 16
PAD_B2 = 32


@functools.lru_cache(maxsize=None)
def _make_gather(n_b1: int, n_b2: int):
    cols_per_w = n_b1 // NW
    VPB = cols_per_w // IDX_LANE

    mesh = plsc.VectorSubcoreMesh(
        core_axis_name="c", subcore_axis_name="s",
        num_cores=NUM_CORES, num_subcores=NUM_SUBCORES)

    @functools.partial(
        pl.kernel,
        mesh=mesh,
        out_type=jax.ShapeDtypeStruct((n_b2, n_b1, EMBED_DIM), jnp.float32),
        scratch_types=[
            pltpu.VMEM((PAD_B2 // 8, cols_per_w // IDX_LANE, 8, IDX_LANE),
                       jnp.int32),
            pltpu.VMEM((2, cols_per_w, EMBED_DIM), jnp.float32),
            pltpu.SemaphoreType.DMA,
            pltpu.SemaphoreType.DMA,
        ],
        compiler_params=pltpu.CompilerParams(
            use_tc_tiling_on_sc=False, needs_layout_passes=False),
    )
    def gather_kernel(idx_hbm, table_hbm, out_hbm, idx_v, rows_v,
                      gsem, osem):
        wid = lax.axis_index("s") * NUM_CORES + lax.axis_index("c")
        c0 = wid * cols_per_w
        tc0 = wid * (cols_per_w // IDX_LANE)
        pltpu.sync_copy(
            idx_hbm.at[:, pl.ds(tc0, cols_per_w // IDX_LANE)], idx_v)
        iota = lax.iota(jnp.int32, L)

        def fire(b2, slot):
            tr = b2 // 8
            r = b2 % 8
            for k in range(VPB):
                pltpu.async_copy(
                    table_hbm.at[idx_v.at[tr, k, r]],
                    rows_v.at[slot].at[pl.ds(k * IDX_LANE, IDX_LANE)],
                    gsem)

        def drain(slot):
            for k in range(VPB):
                pltpu.make_async_copy(
                    table_hbm.at[idx_v.at[0, 0, 0]],
                    rows_v.at[slot].at[pl.ds(0, IDX_LANE)],
                    gsem).wait()

        def out_dst(b2):
            return out_hbm.at[b2, pl.ds(c0, cols_per_w)]

        def owait():
            pltpu.make_async_copy(rows_v.at[0], out_dst(0), osem).wait()

        fire(0, 0)

        @pl.loop(0, n_b2)
        def _b2(b2):
            slot = lax.rem(b2, 2)
            drain(slot)

            @pl.when(b2 + 1 < n_b2)
            def _fire_next():
                fire(b2 + 1, lax.rem(b2 + 1, 2))

            @pl.when(b2 >= 2)
            def _wait_out():
                owait()

            pltpu.async_copy(rows_v.at[slot], out_dst(b2), osem)

        owait()
        owait()

    return gather_kernel


def kernel(x, table):
    n_b1, n_b2 = x.shape
    xp = jnp.pad(x.astype(jnp.int32), ((0, 0), (0, PAD_B2 - n_b2)))
    y = xp.reshape(n_b1 // IDX_LANE, IDX_LANE, PAD_B2 // 8, 8)
    y = y.transpose(2, 0, 3, 1)
    out = _make_gather(n_b1, n_b2)(y, table)
    return jnp.transpose(out, (1, 0, 2))

# --- scband reference (transcript-rebuilt; emitter-appended) ---
"""Pipeline reference for scband-basic-embedding-87462714015926 (READ-ONLY COPY).

The authoritative reference and input builder live on the scoring server;
editing this copy changes nothing except your own understanding.
"""

import jax, jax.numpy as jnp
import numpy as np

VOCAB = 1000000
EMBED_DIM = 32

def setup_inputs(seed: int = 0) -> dict:
    key = jax.random.key(seed)
    k_idx, k_tab = jax.random.split(key)
    x = jax.random.randint(k_idx, (16384, 26), 0, VOCAB, dtype=jnp.int64)
    # nn.Embedding default init: N(0, 1)
    table = jax.random.normal(k_tab, (VOCAB, EMBED_DIM), dtype=jnp.float32)
    return {"x": x, "table": table}

def reference(x, table):
    # BasicEmbedding.forward: self.embedding(x) -> gather rows
    return jnp.take(table, x, axis=0)

if __name__ == "__main__":
    import jax
    _d = setup_inputs()
    print(jax.jit(kernel)(*tuple(_d.values())))

</pallas_src>

<mosaic_0001>
#map = affine_map<(d0, d1) -> (0, 0, 0, 0)>
#map1 = affine_map<(d0, d1) -> (0, 0)>
#map2 = affine_map<(d0, d1) -> (0, 0, 0)>
module attributes {stable_mosaic.version = 14 : i64} {
  func.func @gather_kernel(%arg0: i32, %arg1: i32, %arg2: memref<4x128x8x128xi32, #tpu.memory_space<hbm>>, %arg3: memref<1000000x32xf32, #tpu.memory_space<hbm>>, %arg4: memref<26x16384x32xf32, #tpu.memory_space<hbm>>, %arg5: memref<4x4x8x128xi32, #tpu.memory_space<vmem>>, %arg6: memref<2x512x32xf32, #tpu.memory_space<vmem>>, %arg7: memref<!tpu.dma_semaphore, #tpu.memory_space<semaphore_mem>>, %arg8: memref<!tpu.dma_semaphore, #tpu.memory_space<semaphore_mem>>) attributes {dimension_semantics = [#tpu.dimension_semantics<core_parallel>, #tpu.dimension_semantics<subcore_parallel>], iteration_bounds = array<i64: 2, 16>, scalar_prefetch = 0 : i64, scratch_operands = 4 : i64, tpu.core_type = #tpu.core_type<sc_vector_subcore>, window_params = [{transform_indices = #map}, {transform_indices = #map1}, {transform_indices = #map2}]} {
    %mul3A = arith.constant 2 : i32
    %mul3A_0 = arith.muli %arg1, %mul3A : i32
    %add3A = arith.addi %mul3A_0, %arg0 : i32
    %mul3A_1 = arith.constant 512 : i32
    %mul3A_2 = arith.muli %add3A, %mul3A_1 : i32
    %mul3A_3 = arith.constant 4 : i32
    %mul3A_4 = arith.muli %add3A, %mul3A_3 : i32
    "tpu.region"() ({
      %run_scoped3A = tpu.sem_alloc : memref<!tpu.dma_semaphore, #tpu.memory_space<semaphore_mem>>
      %dma_start3A_107 = arith.constant 0 : i32
      %dma_start3A_108 = arith.constant 0 : i32
      %dma_start3A_109 = arith.constant 0 : i32
      %dma_start3A_110 = tpu.memref_slice %arg2[%dma_start3A_107, %mul3A_4, %dma_start3A_108, %dma_start3A_109] : memref<4x128x8x128xi32, #tpu.memory_space<hbm>> -> memref<4x4x8x128xi32, #tpu.memory_space<hbm>>
      %dma_start3A_111 = arith.constant 0 : i32
      %dma_start3A_112 = arith.constant 0 : i32
      %dma_start3A_113 = arith.constant 0 : i32
      %dma_start3A_114 = tpu.memref_slice %arg2[%dma_start3A_111, %mul3A_4, %dma_start3A_112, %dma_start3A_113] : memref<4x128x8x128xi32, #tpu.memory_space<hbm>> -> memref<4x4x8x128xi32, #tpu.memory_space<hbm>>
      tpu.enqueue_dma source(%dma_start3A_114 : memref<4x4x8x128xi32, #tpu.memory_space<hbm>>) target(%arg5 : memref<4x4x8x128xi32, #tpu.memory_space<vmem>>) target_semaphore(%run_scoped3A : memref<!tpu.dma_semaphore, #tpu.memory_space<semaphore_mem>>)
      %dma_wait3A_115 = arith.constant 0 : i32
      %dma_wait3A_116 = arith.constant 0 : i32
      %dma_wait3A_117 = arith.constant 0 : i32
      %dma_wait3A_118 = tpu.memref_slice %arg2[%dma_wait3A_115, %mul3A_4, %dma_wait3A_116, %dma_wait3A_117] : memref<4x128x8x128xi32, #tpu.memory_space<hbm>> -> memref<4x4x8x128xi32, #tpu.memory_space<hbm>>
      %dma_wait3A_119 = arith.constant 0 : i32
      %dma_wait3A_120 = arith.constant 0 : i32
      %dma_wait3A_121 = arith.constant 0 : i32
      %dma_wait3A_122 = tpu.memref_slice %arg2[%dma_wait3A_119, %mul3A_4, %dma_wait3A_120, %dma_wait3A_121] : memref<4x128x8x128xi32, #tpu.memory_space<hbm>> -> memref<4x4x8x128xi32, #tpu.memory_space<hbm>>
      tpu.wait_dma2 semaphore(%run_scoped3A : memref<!tpu.dma_semaphore, #tpu.memory_space<semaphore_mem>>) src(%dma_wait3A_122 : memref<4x4x8x128xi32, #tpu.memory_space<hbm>>) dst(%arg5 : memref<4x4x8x128xi32, #tpu.memory_space<vmem>>)
      tpu.yield
    }) : () -> ()
    %iota3A = tpu.iota {dimensions = array<i32: 0>} : vector<16xi32>
    %dma_start3A = arith.constant 0 : i32
    %dma_start3A_5 = arith.constant 0 : i32
    %dma_start3A_6 = arith.constant 0 : i32
    %dma_start3A_7 = arith.constant 0 : i32
    %dma_start3A_8 = arith.constant 0 : i32
    %dma_start3A_9 = arith.constant 0 : i32
    %dma_start3A_10 = tpu.memref_slice %arg6[%dma_start3A_7, %dma_start3A_8, %dma_start3A_9] : memref<2x512x32xf32, #tpu.memory_space<vmem>> -> memref<1x512x32xf32, #tpu.memory_space<vmem>>
    %dma_start3A_11 = tpu.memref_squeeze %dma_start3A_10 : memref<1x512x32xf32, #tpu.memory_space<vmem>> -> memref<512x32xf32, #tpu.memory_space<vmem>>
    %dma_start3A_12 = arith.constant 0 : i32
    %dma_start3A_13 = arith.constant 0 : i32
    %dma_start3A_14 = tpu.memref_slice %dma_start3A_11[%dma_start3A_12, %dma_start3A_13] : memref<512x32xf32, #tpu.memory_space<vmem>> -> memref<128x32xf32, #tpu.memory_space<vmem>>
    %dma_start3A_15 = arith.constant 0 : i32
    %dma_start3A_16 = tpu.memref_slice %arg5[%dma_start3A, %dma_start3A_5, %dma_start3A_6, %dma_start3A_15] : memref<4x4x8x128xi32, #tpu.memory_space<vmem>> -> memref<1x1x1x128xi32, #tpu.memory_space<vmem>>
    %dma_start3A_17 = tpu.memref_squeeze %dma_start3A_16 : memref<1x1x1x128xi32, #tpu.memory_space<vmem>> -> memref<128xi32, #tpu.memory_space<vmem>>
    %dma_start3A_18 = arith.constant 0 : i32
    %dma_start3A_19 = arith.constant 0 : i32
    %dma_start3A_20 = tpu.memref_slice %arg3[%dma_start3A_18, %dma_start3A_19] : memref<1000000x32xf32, #tpu.memory_space<hbm>> -> memref<1000000x32xf32, #tpu.memory_space<hbm>>
    tpu.enqueue_indirect_dma source(%dma_start3A_20 : memref<1000000x32xf32, #tpu.memory_space<hbm>>) target(%dma_start3A_14 : memref<128x32xf32, #tpu.memory_space<vmem>>) offsets(%dma_start3A_17 : memref<128xi32, #tpu.memory_space<vmem>>) semaphore(%arg7 : memref<!tpu.dma_semaphore, #tpu.memory_space<semaphore_mem>>)
    %dma_start3A_21 = arith.constant 0 : i32
    %dma_start3A_22 = arith.constant 1 : i32
    %dma_start3A_23 = arith.constant 0 : i32
    %dma_start3A_24 = arith.constant 0 : i32
    %dma_start3A_25 = arith.constant 0 : i32
    %dma_start3A_26 = arith.constant 0 : i32
    %dma_start3A_27 = tpu.memref_slice %arg6[%dma_start3A_24, %dma_start3A_25, %dma_start3A_26] : memref<2x512x32xf32, #tpu.memory_space<vmem>> -> memref<1x512x32xf32, #tpu.memory_space<vmem>>
    %dma_start3A_28 = tpu.memref_squeeze %dma_start3A_27 : memref<1x512x32xf32, #tpu.memory_space<vmem>> -> memref<512x32xf32, #tpu.memory_space<vmem>>
    %dma_start3A_29 = arith.constant 128 : i32
    %dma_start3A_30 = arith.constant 0 : i32
    %dma_start3A_31 = tpu.memref_slice %dma_start3A_28[%dma_start3A_29, %dma_start3A_30] : memref<512x32xf32, #tpu.memory_space<vmem>> -> memref<128x32xf32, #tpu.memory_space<vmem>>
    %dma_start3A_32 = arith.constant 0 : i32
    %dma_start3A_33 = tpu.memref_slice %arg5[%dma_start3A_21, %dma_start3A_22, %dma_start3A_23, %dma_start3A_32] : memref<4x4x8x128xi32, #tpu.memory_space<vmem>> -> memref<1x1x1x128xi32, #tpu.memory_space<vmem>>
    %dma_start3A_34 = tpu.memref_squeeze %dma_start3A_33 : memref<1x1x1x128xi32, #tpu.memory_space<vmem>> -> memref<128xi32, #tpu.memory_space<vmem>>
    %dma_start3A_35 = arith.constant 0 : i32
    %dma_start3A_36 = arith.constant 0 : i32
    %dma_start3A_37 = tpu.memref_slice %arg3[%dma_start3A_35, %dma_start3A_36] : memref<1000000x32xf32, #tpu.memory_space<hbm>> -> memref<1000000x32xf32, #tpu.memory_space<hbm>>
    tpu.enqueue_indirect_dma source(%dma_start3A_37 : memref<1000000x32xf32, #tpu.memory_space<hbm>>) target(%dma_start3A_31 : memref<128x32xf32, #tpu.memory_space<vmem>>) offsets(%dma_start3A_34 : memref<128xi32, #tpu.memory_space<vmem>>) semaphore(%arg7 : memref<!tpu.dma_semaphore, #tpu.memory_space<semaphore_mem>>)
    %dma_start3A_38 = arith.constant 0 : i32
    %dma_start3A_39 = arith.constant 2 : i32
    %dma_start3A_40 = arith.constant 0 : i32
    %dma_start3A_41 = arith.constant 0 : i32
    %dma_start3A_42 = arith.constant 0 : i32
    %dma_start3A_43 = arith.constant 0 : i32
    %dma_start3A_44 = tpu.memref_slice %arg6[%dma_start3A_41, %dma_start3A_42, %dma_start3A_43] : memref<2x512x32xf32, #tpu.memory_space<vmem>> -> memref<1x512x32xf32, #tpu.memory_space<vmem>>
    %dma_start3A_45 = tpu.memref_squeeze %dma_start3A_44 : memref<1x512x32xf32, #tpu.memory_space<vmem>> -> memref<512x32xf32, #tpu.memory_space<vmem>>
    %dma_start3A_46 = arith.constant 256 : i32
    %dma_start3A_47 = arith.constant 0 : i32
    %dma_start3A_48 = tpu.memref_slice %dma_start3A_45[%dma_start3A_46, %dma_start3A_47] : memref<512x32xf32, #tpu.memory_space<vmem>> -> memref<128x32xf32, #tpu.memory_space<vmem>>
    %dma_start3A_49 = arith.constant 0 : i32
    %dma_start3A_50 = tpu.memref_slice %arg5[%dma_start3A_38, %dma_start3A_39, %dma_start3A_40, %dma_start3A_49] : memref<4x4x8x128xi32, #tpu.memory_space<vmem>> -> memref<1x1x1x128xi32, #tpu.memory_space<vmem>>
    %dma_start3A_51 = tpu.memref_squeeze %dma_start3A_50 : memref<1x1x1x128xi32, #tpu.memory_space<vmem>> -> memref<128xi32, #tpu.memory_space<vmem>>
    %dma_start3A_52 = arith.constant 0 : i32
    %dma_start3A_53 = arith.constant 0 : i32
    %dma_start3A_54 = tpu.memref_slice %arg3[%dma_start3A_52, %dma_start3A_53] : memref<1000000x32xf32, #tpu.memory_space<hbm>> -> memref<1000000x32xf32, #tpu.memory_space<hbm>>
    tpu.enqueue_indirect_dma source(%dma_start3A_54 : memref<1000000x32xf32, #tpu.memory_space<hbm>>) target(%dma_start3A_48 : memref<128x32xf32, #tpu.memory_space<vmem>>) offsets(%dma_start3A_51 : memref<128xi32, #tpu.memory_space<vmem>>) semaphore(%arg7 : memref<!tpu.dma_semaphore, #tpu.memory_space<semaphore_mem>>)
    %dma_start3A_55 = arith.constant 0 : i32
    %dma_start3A_56 = arith.constant 3 : i32
    %dma_start3A_57 = arith.constant 0 : i32
    %dma_start3A_58 = arith.constant 0 : i32
    %dma_start3A_59 = arith.constant 0 : i32
    %dma_start3A_60 = arith.constant 0 : i32
    %dma_start3A_61 = tpu.memref_slice %arg6[%dma_start3A_58, %dma_start3A_59, %dma_start3A_60] : memref<2x512x32xf32, #tpu.memory_space<vmem>> -> memref<1x512x32xf32, #tpu.memory_space<vmem>>
    %dma_start3A_62 = tpu.memref_squeeze %dma_start3A_61 : memref<1x512x32xf32, #tpu.memory_space<vmem>> -> memref<512x32xf32, #tpu.memory_space<vmem>>
    %dma_start3A_63 = arith.constant 384 : i32
    %dma_start3A_64 = arith.constant 0 : i32
    %dma_start3A_65 = tpu.memref_slice %dma_start3A_62[%dma_start3A_63, %dma_start3A_64] : memref<512x32xf32, #tpu.memory_space<vmem>> -> memref<128x32xf32, #tpu.memory_space<vmem>>
    %dma_start3A_66 = arith.constant 0 : i32
    %dma_start3A_67 = tpu.memref_slice %arg5[%dma_start3A_55, %dma_start3A_56, %dma_start3A_57, %dma_start3A_66] : memref<4x4x8x128xi32, #tpu.memory_space<vmem>> -> memref<1x1x1x128xi32, #tpu.memory_space<vmem>>
    %dma_start3A_68 = tpu.memref_squeeze %dma_start3A_67 : memref<1x1x1x128xi32, #tpu.memory_space<vmem>> -> memref<128xi32, #tpu.memory_space<vmem>>
    %dma_start3A_69 = arith.constant 0 : i32
    %dma_start3A_70 = arith.constant 0 : i32
    %dma_start3A_71 = tpu.memref_slice %arg3[%dma_start3A_69, %dma_start3A_70] : memref<1000000x32xf32, #tpu.memory_space<hbm>> -> memref<1000000x32xf32, #tpu.memory_space<hbm>>
    tpu.enqueue_indirect_dma source(%dma_start3A_71 : memref<1000000x32xf32, #tpu.memory_space<hbm>>) target(%dma_start3A_65 : memref<128x32xf32, #tpu.memory_space<vmem>>) offsets(%dma_start3A_68 : memref<128xi32, #tpu.memory_space<vmem>>) semaphore(%arg7 : memref<!tpu.dma_semaphore, #tpu.memory_space<semaphore_mem>>)
    %scan3A = arith.constant 0 : i32
    %scan3A_72 = arith.constant 26 : i32
    %scan3A_73 = arith.addi %scan3A, %scan3A_72 : i32
    %scan3A_74 = arith.constant 1 : i32
    scf.for %scan3A_107 = %scan3A to %scan3A_73 step %scan3A_74  : i32 {
      %mul3A_108 = arith.constant 1 : i32
      %mul3A_109 = arith.muli %scan3A_107, %mul3A_108 : i32
      %add3A_110 = arith.constant 0 : i32
      %add3A_111 = arith.addi %add3A_110, %mul3A_109 : i32
      %rem3A = arith.constant 2 : i32
      %rem3A_112 = arith.remsi %add3A_111, %rem3A : i32
      %dma_wait3A_113 = arith.constant 0 : i32
      %dma_wait3A_114 = arith.constant 0 : i32
      %dma_wait3A_115 = arith.constant 0 : i32
      %dma_wait3A_116 = arith.constant 0 : i32
      %dma_wait3A_117 = arith.constant 0 : i32
      %dma_wait3A_118 = tpu.memref_slice %arg6[%rem3A_112, %dma_wait3A_116, %dma_wait3A_117] : memref<2x512x32xf32, #tpu.memory_space<vmem>> -> memref<1x512x32xf32, #tpu.memory_space<vmem>>
      %dma_wait3A_119 = tpu.memref_squeeze %dma_wait3A_118 : memref<1x512x32xf32, #tpu.memory_space<vmem>> -> memref<512x32xf32, #tpu.memory_space<vmem>>
      %dma_wait3A_120 = arith.constant 0 : i32
      %dma_wait3A_121 = arith.constant 0 : i32
      %dma_wait3A_122 = tpu.memref_slice %dma_wait3A_119[%dma_wait3A_120, %dma_wait3A_121] : memref<512x32xf32, #tpu.memory_space<vmem>> -> memref<128x32xf32, #tpu.memory_space<vmem>>
      %dma_wait3A_123 = arith.constant 0 : i32
      %dma_wait3A_124 = tpu.memref_slice %arg5[%dma_wait3A_113, %dma_wait3A_114, %dma_wait3A_115, %dma_wait3A_123] : memref<4x4x8x128xi32, #tpu.memory_space<vmem>> -> memref<1x1x1x128xi32, #tpu.memory_space<vmem>>
      %dma_wait3A_125 = tpu.memref_squeeze %dma_wait3A_124 : memref<1x1x1x128xi32, #tpu.memory_space<vmem>> -> memref<128xi32, #tpu.memory_space<vmem>>
      %dma_wait3A_126 = arith.constant 0 : i32
      %dma_wait3A_127 = arith.constant 0 : i32
      %dma_wait3A_128 = tpu.memref_slice %arg3[%dma_wait3A_126, %dma_wait3A_127] : memref<1000000x32xf32, #tpu.memory_space<hbm>> -> memref<1000000x32xf32, #tpu.memory_space<hbm>>
      tpu.wait_indirect_dma semaphore(%arg7 : memref<!tpu.dma_semaphore, #tpu.memory_space<semaphore_mem>>) src(%dma_wait3A_128 : memref<1000000x32xf32, #tpu.memory_space<hbm>>) dst(%dma_wait3A_122 : memref<128x32xf32, #tpu.memory_space<vmem>>)
      %dma_wait3A_129 = arith.constant 0 : i32
      %dma_wait3A_130 = arith.constant 0 : i32
      %dma_wait3A_131 = arith.constant 0 : i32
      %dma_wait3A_132 = arith.constant 0 : i32
      %dma_wait3A_133 = arith.constant 0 : i32
      %dma_wait3A_134 = tpu.memref_slice %arg6[%rem3A_112, %dma_wait3A_132, %dma_wait3A_133] : memref<2x512x32xf32, #tpu.memory_space<vmem>> -> memref<1x512x32xf32, #tpu.memory_space<vmem>>
      %dma_wait3A_135 = tpu.memref_squeeze %dma_wait3A_134 : memref<1x512x32xf32, #tpu.memory_space<vmem>> -> memref<512x32xf32, #tpu.memory_space<vmem>>
      %dma_wait3A_136 = arith.constant 0 : i32
      %dma_wait3A_137 = arith.constant 0 : i32
      %dma_wait3A_138 = tpu.memref_slice %dma_wait3A_135[%dma_wait3A_136, %dma_wait3A_137] : memref<512x32xf32, #tpu.memory_space<vmem>> -> memref<128x32xf32, #tpu.memory_space<vmem>>
      %dma_wait3A_139 = arith.constant 0 : i32
      %dma_wait3A_140 = tpu.memref_slice %arg5[%dma_wait3A_129, %dma_wait3A_130, %dma_wait3A_131, %dma_wait3A_139] : memref<4x4x8x128xi32, #tpu.memory_space<vmem>> -> memref<1x1x1x128xi32, #tpu.memory_space<vmem>>
      %dma_wait3A_141 = tpu.memref_squeeze %dma_wait3A_140 : memref<1x1x1x128xi32, #tpu.memory_space<vmem>> -> memref<128xi32, #tpu.memory_space<vmem>>
      %dma_wait3A_142 = arith.constant 0 : i32
      %dma_wait3A_143 = arith.constant 0 : i32
      %dma_wait3A_144 = tpu.memref_slice %arg3[%dma_wait3A_142, %dma_wait3A_143] : memref<1000000x32xf32, #tpu.memory_space<hbm>> -> memref<1000000x32xf32, #tpu.memory_space<hbm>>
      tpu.wait_indirect_dma semaphore(%arg7 : memref<!tpu.dma_semaphore, #tpu.memory_space<semaphore_mem>>) src(%dma_wait3A_144 : memref<1000000x32xf32, #tpu.memory_space<hbm>>) dst(%dma_wait3A_138 : memref<128x32xf32, #tpu.memory_space<vmem>>)
      %dma_wait3A_145 = arith.constant 0 : i32
      %dma_wait3A_146 = arith.constant 0 : i32
      %dma_wait3A_147 = arith.constant 0 : i32
      %dma_wait3A_148 = arith.constant 0 : i32
      %dma_wait3A_149 = arith.constant 0 : i32
      %dma_wait3A_150 = tpu.memref_slice %arg6[%rem3A_112, %dma_wait3A_148, %dma_wait3A_149] : memref<2x512x32xf32, #tpu.memory_space<vmem>> -> memref<1x512x32xf32, #tpu.memory_space<vmem>>
      %dma_wait3A_151 = tpu.memref_squeeze %dma_wait3A_150 : memref<1x512x32xf32, #tpu.memory_space<vmem>> -> memref<512x32xf32, #tpu.memory_space<vmem>>
      %dma_wait3A_152 = arith.constant 0 : i32
      %dma_wait3A_153 = arith.constant 0 : i32
      %dma_wait3A_154 = tpu.memref_slice %dma_wait3A_151[%dma_wait3A_152, %dma_wait3A_153] : memref<512x32xf32, #tpu.memory_space<vmem>> -> memref<128x32xf32, #tpu.memory_space<vmem>>
      %dma_wait3A_155 = arith.constant 0 : i32
      %dma_wait3A_156 = tpu.memref_slice %arg5[%dma_wait3A_145, %dma_wait3A_146, %dma_wait3A_147, %dma_wait3A_155] : memref<4x4x8x128xi32, #tpu.memory_space<vmem>> -> memref<1x1x1x128xi32, #tpu.memory_space<vmem>>
      %dma_wait3A_157 = tpu.memref_squeeze %dma_wait3A_156 : memref<1x1x1x128xi32, #tpu.memory_space<vmem>> -> memref<128xi32, #tpu.memory_space<vmem>>
      %dma_wait3A_158 = arith.constant 0 : i32
      %dma_wait3A_159 = arith.constant 0 : i32
      %dma_wait3A_160 = tpu.memref_slice %arg3[%dma_wait3A_158, %dma_wait3A_159] : memref<1000000x32xf32, #tpu.memory_space<hbm>> -> memref<1000000x32xf32, #tpu.memory_space<hbm>>
      tpu.wait_indirect_dma semaphore(%arg7 : memref<!tpu.dma_semaphore, #tpu.memory_space<semaphore_mem>>) src(%dma_wait3A_160 : memref<1000000x32xf32, #tpu.memory_space<hbm>>) dst(%dma_wait3A_154 : memref<128x32xf32, #tpu.memory_space<vmem>>)
      %dma_wait3A_161 = arith.constant 0 : i32
      %dma_wait3A_162 = arith.constant 0 : i32
      %dma_wait3A_163 = arith.constant 0 : i32
      %dma_wait3A_164 = arith.constant 0 : i32
      %dma_wait3A_165 = arith.constant 0 : i32
      %dma_wait3A_166 = tpu.memref_slice %arg6[%rem3A_112, %dma_wait3A_164, %dma_wait3A_165] : memref<2x512x32xf32, #tpu.memory_space<vmem>> -> memref<1x512x32xf32, #tpu.memory_space<vmem>>
      %dma_wait3A_167 = tpu.memref_squeeze %dma_wait3A_166 : memref<1x512x32xf32, #tpu.memory_space<vmem>> -> memref<512x32xf32, #tpu.memory_space<vmem>>
      %dma_wait3A_168 = arith.constant 0 : i32
      %dma_wait3A_169 = arith.constant 0 : i32
      %dma_wait3A_170 = tpu.memref_slice %dma_wait3A_167[%dma_wait3A_168, %dma_wait3A_169] : memref<512x32xf32, #tpu.memory_space<vmem>> -> memref<128x32xf32, #tpu.memory_space<vmem>>
      %dma_wait3A_171 = arith.constant 0 : i32
      %dma_wait3A_172 = tpu.memref_slice %arg5[%dma_wait3A_161, %dma_wait3A_162, %dma_wait3A_163, %dma_wait3A_171] : memref<4x4x8x128xi32, #tpu.memory_space<vmem>> -> memref<1x1x1x128xi32, #tpu.memory_space<vmem>>
      %dma_wait3A_173 = tpu.memref_squeeze %dma_wait3A_172 : memref<1x1x1x128xi32, #tpu.memory_space<vmem>> -> memref<128xi32, #tpu.memory_space<vmem>>
      %dma_wait3A_174 = arith.constant 0 : i32
      %dma_wait3A_175 = arith.constant 0 : i32
      %dma_wait3A_176 = tpu.memref_slice %arg3[%dma_wait3A_174, %dma_wait3A_175] : memref<1000000x32xf32, #tpu.memory_space<hbm>> -> memref<1000000x32xf32, #tpu.memory_space<hbm>>
      tpu.wait_indirect_dma semaphore(%arg7 : memref<!tpu.dma_semaphore, #tpu.memory_space<semaphore_mem>>) src(%dma_wait3A_176 : memref<1000000x32xf32, #tpu.memory_space<hbm>>) dst(%dma_wait3A_170 : memref<128x32xf32, #tpu.memory_space<vmem>>)
      %add3A_177 = arith.constant 1 : i32
      %add3A_178 = arith.addi %add3A_111, %add3A_177 : i32
      %lt3A = arith.constant 26 : i32
      %lt3A_179 = arith.cmpi slt, %add3A_178, %lt3A : i32
      %convert_element_type3A = arith.extui %lt3A_179 : i1 to i32
      %cond3A = arith.constant 0 : i32
      %cond3A_180 = arith.cmpi ne, %convert_element_type3A, %cond3A : i32
      scf.if %cond3A_180 {
        %add3A_199 = arith.constant 1 : i32
        %add3A_200 = arith.addi %add3A_111, %add3A_199 : i32
        %add3A_201 = arith.constant 1 : i32
        %add3A_202 = arith.addi %add3A_111, %add3A_201 : i32
        %rem3A_203 = arith.constant 2 : i32
        %rem3A_204 = arith.remsi %add3A_202, %rem3A_203 : i32
        %jit3A = arith.constant 8 : i32
        %div3A = arith.divsi %add3A_200, %jit3A : i32
        %sign3A = arith.constant 0 : i32
        %sign3A_205 = arith.cmpi sgt, %add3A_200, %sign3A : i32
        %sign3A_206 = arith.extui %sign3A_205 : i1 to i32
        %sign3A_207 = arith.constant 0 : i32
        %sign3A_208 = arith.cmpi slt, %add3A_200, %sign3A_207 : i32
        %sign3A_209 = arith.extui %sign3A_208 : i1 to i32
        %sign3A_210 = arith.subi %sign3A_206, %sign3A_209 : i32
        %sign3A_211 = arith.constant 0 : i32
        %sign3A_212 = arith.cmpi sgt, %jit3A, %sign3A_211 : i32
        %sign3A_213 = arith.extui %sign3A_212 : i1 to i32
        %sign3A_214 = arith.constant 0 : i32
        %sign3A_215 = arith.cmpi slt, %jit3A, %sign3A_214 : i32
        %sign3A_216 = arith.extui %sign3A_215 : i1 to i32
        %sign3A_217 = arith.subi %sign3A_213, %sign3A_216 : i32
        %ne3A = arith.cmpi ne, %sign3A_210, %sign3A_217 : i32
        %rem3A_218 = arith.remsi %add3A_200, %jit3A : i32
        %ne3A_219 = arith.constant 0 : i32
        %ne3A_220 = arith.cmpi ne, %rem3A_218, %ne3A_219 : i32
        %and3A = arith.andi %ne3A, %ne3A_220 : i1
        %sub3A = arith.constant 1 : i32
        %sub3A_221 = arith.subi %div3A, %sub3A : i32
        %select_n3A = arith.select %and3A, %sub3A_221, %div3A : i32
        %jit3A_222 = arith.constant 8 : i32
        %eq3A = arith.constant 0 : i32
        %eq3A_223 = arith.cmpi eq, %jit3A_222, %eq3A : i32
        %jit3A_224 = arith.constant 1 : i32
        %select_n3A_225 = arith.select %eq3A_223, %jit3A_224, %jit3A_222 : i32
        %rem3A_226 = arith.remsi %add3A_200, %select_n3A_225 : i32
        %ne3A_227 = arith.constant 0 : i32
        %ne3A_228 = arith.cmpi ne, %rem3A_226, %ne3A_227 : i32
        %lt3A_229 = arith.constant 0 : i32
        %lt3A_230 = arith.cmpi slt, %rem3A_226, %lt3A_229 : i32
        %lt3A_231 = arith.constant 0 : i32
        %lt3A_232 = arith.cmpi slt, %select_n3A_225, %lt3A_231 : i32
        %ne3A_233 = arith.xori %lt3A_230, %lt3A_232 : i1
        %and3A_234 = arith.andi %ne3A_233, %ne3A_228 : i1
        %add3A_235 = arith.addi %rem3A_226, %select_n3A_225 : i32
        %select_n3A_236 = arith.select %and3A_234, %add3A_235, %rem3A_226 : i32
        %dma_start3A_237 = arith.constant 0 : i32
        %dma_start3A_238 = arith.constant 0 : i32
        %dma_start3A_239 = arith.constant 0 : i32
        %dma_start3A_240 = tpu.memref_slice %arg6[%rem3A_204, %dma_start3A_238, %dma_start3A_239] : memref<2x512x32xf32, #tpu.memory_space<vmem>> -> memref<1x512x32xf32, #tpu.memory_space<vmem>>
        %dma_start3A_241 = tpu.memref_squeeze %dma_start3A_240 : memref<1x512x32xf32, #tpu.memory_space<vmem>> -> memref<512x32xf32, #tpu.memory_space<vmem>>
        %dma_start3A_242 = arith.constant 0 : i32
        %dma_start3A_243 = arith.constant 0 : i32
        %dma_start3A_244 = tpu.memref_slice %dma_start3A_241[%dma_start3A_242, %dma_start3A_243] : memref<512x32xf32, #tpu.memory_space<vmem>> -> memref<128x32xf32, #tpu.memory_space<vmem>>
        %dma_start3A_245 = arith.constant 0 : i32
        %dma_start3A_246 = tpu.memref_slice %arg5[%select_n3A, %dma_start3A_237, %select_n3A_236, %dma_start3A_245] : memref<4x4x8x128xi32, #tpu.memory_space<vmem>> -> memref<1x1x1x128xi32, #tpu.memory_space<vmem>>
        %dma_start3A_247 = tpu.memref_squeeze %dma_start3A_246 : memref<1x1x1x128xi32, #tpu.memory_space<vmem>> -> memref<128xi32, #tpu.memory_space<vmem>>
        %dma_start3A_248 = arith.constant 0 : i32
        %dma_start3A_249 = arith.constant 0 : i32
        %dma_start3A_250 = tpu.memref_slice %arg3[%dma_start3A_248, %dma_start3A_249] : memref<1000000x32xf32, #tpu.memory_space<hbm>> -> memref<1000000x32xf32, #tpu.memory_space<hbm>>
        tpu.enqueue_indirect_dma source(%dma_start3A_250 : memref<1000000x32xf32, #tpu.memory_space<hbm>>) target(%dma_start3A_244 : memref<128x32xf32, #tpu.memory_space<vmem>>) offsets(%dma_start3A_247 : memref<128xi32, #tpu.memory_space<vmem>>) semaphore(%arg7 : memref<!tpu.dma_semaphore, #tpu.memory_space<semaphore_mem>>)
        %dma_start3A_251 = arith.constant 1 : i32
        %dma_start3A_252 = arith.constant 0 : i32
        %dma_start3A_253 = arith.constant 0 : i32
        %dma_start3A_254 = tpu.memref_slice %arg6[%rem3A_204, %dma_start3A_252, %dma_start3A_253] : memref<2x512x32xf32, #tpu.memory_space<vmem>> -> memref<1x512x32xf32, #tpu.memory_space<vmem>>
        %dma_start3A_255 = tpu.memref_squeeze %dma_start3A_254 : memref<1x512x32xf32, #tpu.memory_space<vmem>> -> memref<512x32xf32, #tpu.memory_space<vmem>>
        %dma_start3A_256 = arith.constant 128 : i32
        %dma_start3A_257 = arith.constant 0 : i32
        %dma_start3A_258 = tpu.memref_slice %dma_start3A_255[%dma_start3A_256, %dma_start3A_257] : memref<512x32xf32, #tpu.memory_space<vmem>> -> memref<128x32xf32, #tpu.memory_space<vmem>>
        %dma_start3A_259 = arith.constant 0 : i32
        %dma_start3A_260 = tpu.memref_slice %arg5[%select_n3A, %dma_start3A_251, %select_n3A_236, %dma_start3A_259] : memref<4x4x8x128xi32, #tpu.memory_space<vmem>> -> memref<1x1x1x128xi32, #tpu.memory_space<vmem>>
        %dma_start3A_261 = tpu.memref_squeeze %dma_start3A_260 : memref<1x1x1x128xi32, #tpu.memory_space<vmem>> -> memref<128xi32, #tpu.memory_space<vmem>>
        %dma_start3A_262 = arith.constant 0 : i32
        %dma_start3A_263 = arith.constant 0 : i32
        %dma_start3A_264 = tpu.memref_slice %arg3[%dma_start3A_262, %dma_start3A_263] : memref<1000000x32xf32, #tpu.memory_space<hbm>> -> memref<1000000x32xf32, #tpu.memory_space<hbm>>
        tpu.enqueue_indirect_dma source(%dma_start3A_264 : memref<1000000x32xf32, #tpu.memory_space<hbm>>) target(%dma_start3A_258 : memref<128x32xf32, #tpu.memory_space<vmem>>) offsets(%dma_start3A_261 : memref<128xi32, #tpu.memory_space<vmem>>) semaphore(%arg7 : memref<!tpu.dma_semaphore, #tpu.memory_space<semaphore_mem>>)
        %dma_start3A_265 = arith.constant 2 : i32
        %dma_start3A_266 = arith.constant 0 : i32
        %dma_start3A_267 = arith.constant 0 : i32
        %dma_start3A_268 = tpu.memref_slice %arg6[%rem3A_204, %dma_start3A_266, %dma_start3A_267] : memref<2x512x32xf32, #tpu.memory_space<vmem>> -> memref<1x512x32xf32, #tpu.memory_space<vmem>>
        %dma_start3A_269 = tpu.memref_squeeze %dma_start3A_268 : memref<1x512x32xf32, #tpu.memory_space<vmem>> -> memref<512x32xf32, #tpu.memory_space<vmem>>
        %dma_start3A_270 = arith.constant 256 : i32
        %dma_start3A_271 = arith.constant 0 : i32
        %dma_start3A_272 = tpu.memref_slice %dma_start3A_269[%dma_start3A_270, %dma_start3A_271] : memref<512x32xf32, #tpu.memory_space<vmem>> -> memref<128x32xf32, #tpu.memory_space<vmem>>
        %dma_start3A_273 = arith.constant 0 : i32
        %dma_start3A_274 = tpu.memref_slice %arg5[%select_n3A, %dma_start3A_265, %select_n3A_236, %dma_start3A_273] : memref<4x4x8x128xi32, #tpu.memory_space<vmem>> -> memref<1x1x1x128xi32, #tpu.memory_space<vmem>>
        %dma_start3A_275 = tpu.memref_squeeze %dma_start3A_274 : memref<1x1x1x128xi32, #tpu.memory_space<vmem>> -> memref<128xi32, #tpu.memory_space<vmem>>
        %dma_start3A_276 = arith.constant 0 : i32
        %dma_start3A_277 = arith.constant 0 : i32
        %dma_start3A_278 = tpu.memref_slice %arg3[%dma_start3A_276, %dma_start3A_277] : memref<1000000x32xf32, #tpu.memory_space<hbm>> -> memref<1000000x32xf32, #tpu.memory_space<hbm>>
        tpu.enqueue_indirect_dma source(%dma_start3A_278 : memref<1000000x32xf32, #tpu.memory_space<hbm>>) target(%dma_start3A_272 : memref<128x32xf32, #tpu.memory_space<vmem>>) offsets(%dma_start3A_275 : memref<128xi32, #tpu.memory_space<vmem>>) semaphore(%arg7 : memref<!tpu.dma_semaphore, #tpu.memory_space<semaphore_mem>>)
        %dma_start3A_279 = arith.constant 3 : i32
        %dma_start3A_280 = arith.constant 0 : i32
        %dma_start3A_281 = arith.constant 0 : i32
        %dma_start3A_282 = tpu.memref_slice %arg6[%rem3A_204, %dma_start3A_280, %dma_start3A_281] : memref<2x512x32xf32, #tpu.memory_space<vmem>> -> memref<1x512x32xf32, #tpu.memory_space<vmem>>
        %dma_start3A_283 = tpu.memref_squeeze %dma_start3A_282 : memref<1x512x32xf32, #tpu.memory_space<vmem>> -> memref<512x32xf32, #tpu.memory_space<vmem>>
        %dma_start3A_284 = arith.constant 384 : i32
        %dma_start3A_285 = arith.constant 0 : i32
        %dma_start3A_286 = tpu.memref_slice %dma_start3A_283[%dma_start3A_284, %dma_start3A_285] : memref<512x32xf32, #tpu.memory_space<vmem>> -> memref<128x32xf32, #tpu.memory_space<vmem>>
        %dma_start3A_287 = arith.constant 0 : i32
        %dma_start3A_288 = tpu.memref_slice %arg5[%select_n3A, %dma_start3A_279, %select_n3A_236, %dma_start3A_287] : memref<4x4x8x128xi32, #tpu.memory_space<vmem>> -> memref<1x1x1x128xi32, #tpu.memory_space<vmem>>
        %dma_start3A_289 = tpu.memref_squeeze %dma_start3A_288 : memref<1x1x1x128xi32, #tpu.memory_space<vmem>> -> memref<128xi32, #tpu.memory_space<vmem>>
        %dma_start3A_290 = arith.constant 0 : i32
        %dma_start3A_291 = arith.constant 0 : i32
        %dma_start3A_292 = tpu.memref_slice %arg3[%dma_start3A_290, %dma_start3A_291] : memref<1000000x32xf32, #tpu.memory_space<hbm>> -> memref<1000000x32xf32, #tpu.memory_space<hbm>>
        tpu.enqueue_indirect_dma source(%dma_start3A_292 : memref<1000000x32xf32, #tpu.memory_space<hbm>>) target(%dma_start3A_286 : memref<128x32xf32, #tpu.memory_space<vmem>>) offsets(%dma_start3A_289 : memref<128xi32, #tpu.memory_space<vmem>>) semaphore(%arg7 : memref<!tpu.dma_semaphore, #tpu.memory_space<semaphore_mem>>)
      } else {
      }
      %ge3A = arith.constant 2 : i32
      %ge3A_181 = arith.cmpi sge, %add3A_111, %ge3A : i32
      %convert_element_type3A_182 = arith.extui %ge3A_181 : i1 to i32
      %cond3A_183 = arith.constant 0 : i32
      %cond3A_184 = arith.cmpi ne, %convert_element_type3A_182, %cond3A_183 : i32
      scf.if %cond3A_184 {
        %dma_wait3A_199 = arith.constant 0 : i32
        %dma_wait3A_200 = arith.constant 0 : i32
        %dma_wait3A_201 = arith.constant 0 : i32
        %dma_wait3A_202 = arith.constant 0 : i32
        %dma_wait3A_203 = tpu.memref_slice %arg6[%dma_wait3A_199, %dma_wait3A_201, %dma_wait3A_202] : memref<2x512x32xf32, #tpu.memory_space<vmem>> -> memref<1x512x32xf32, #tpu.memory_space<vmem>>
        %dma_wait3A_204 = tpu.memref_squeeze %dma_wait3A_203 : memref<1x512x32xf32, #tpu.memory_space<vmem>> -> memref<512x32xf32, #tpu.memory_space<vmem>>
        %dma_wait3A_205 = arith.constant 0 : i32
        %dma_wait3A_206 = tpu.memref_slice %arg4[%dma_wait3A_200, %mul3A_2, %dma_wait3A_205] : memref<26x16384x32xf32, #tpu.memory_space<hbm>> -> memref<1x512x32xf32, #tpu.memory_space<hbm>>
        %dma_wait3A_207 = tpu.memref_squeeze %dma_wait3A_206 : memref<1x512x32xf32, #tpu.memory_space<hbm>> -> memref<512x32xf32, #tpu.memory_space<hbm>>
        %dma_wait3A_208 = arith.constant 0 : i32
        %dma_wait3A_209 = tpu.memref_slice %arg4[%dma_wait3A_200, %mul3A_2, %dma_wait3A_208] : memref<26x16384x32xf32, #tpu.memory_space<hbm>> -> memref<1x512x32xf32, #tpu.memory_space<hbm>>
        %dma_wait3A_210 = tpu.memref_squeeze %dma_wait3A_209 : memref<1x512x32xf32, #tpu.memory_space<hbm>> -> memref<512x32xf32, #tpu.memory_space<hbm>>
        %dma_wait3A_211 = arith.constant 0 : i32
        %dma_wait3A_212 = arith.constant 0 : i32
        %dma_wait3A_213 = tpu.memref_slice %arg6[%dma_wait3A_199, %dma_wait3A_211, %dma_wait3A_212] : memref<2x512x32xf32, #tpu.memory_space<vmem>> -> memref<1x512x32xf32, #tpu.memory_space<vmem>>
        %dma_wait3A_214 = tpu.memref_squeeze %dma_wait3A_213 : memref<1x512x32xf32, #tpu.memory_space<vmem>> -> memref<512x32xf32, #tpu.memory_space<vmem>>
        tpu.wait_dma2 semaphore(%arg8 : memref<!tpu.dma_semaphore, #tpu.memory_space<semaphore_mem>>) src(%dma_wait3A_214 : memref<512x32xf32, #tpu.memory_space<vmem>>) dst(%dma_wait3A_210 : memref<512x32xf32, #tpu.memory_space<hbm>>)
      } else {
      }
      %dma_start3A_185 = arith.constant 0 : i32
      %dma_start3A_186 = arith.constant 0 : i32
      %dma_start3A_187 = tpu.memref_slice %arg6[%rem3A_112, %dma_start3A_185, %dma_start3A_186] : memref<2x512x32xf32, #tpu.memory_space<vmem>> -> memref<1x512x32xf32, #tpu.memory_space<vmem>>
      %dma_start3A_188 = tpu.memref_squeeze %dma_start3A_187 : memref<1x512x32xf32, #tpu.memory_space<vmem>> -> memref<512x32xf32, #tpu.memory_space<vmem>>
      %dma_start3A_189 = arith.constant 0 : i32
      %dma_start3A_190 = tpu.memref_slice %arg4[%add3A_111, %mul3A_2, %dma_start3A_189] : memref<26x16384x32xf32, #tpu.memory_space<hbm>> -> memref<1x512x32xf32, #tpu.memory_space<hbm>>
      %dma_start3A_191 = tpu.memref_squeeze %dma_start3A_190 : memref<1x512x32xf32, #tpu.memory_space<hbm>> -> memref<512x32xf32, #tpu.memory_space<hbm>>
      %dma_start3A_192 = arith.constant 0 : i32
      %dma_start3A_193 = tpu.memref_slice %arg4[%add3A_111, %mul3A_2, %dma_start3A_192] : memref<26x16384x32xf32, #tpu.memory_space<hbm>> -> memref<1x512x32xf32, #tpu.memory_space<hbm>>
      %dma_start3A_194 = tpu.memref_squeeze %dma_start3A_193 : memref<1x512x32xf32, #tpu.memory_space<hbm>> -> memref<512x32xf32, #tpu.memory_space<hbm>>
      %dma_start3A_195 = arith.constant 0 : i32
      %dma_start3A_196 = arith.constant 0 : i32
      %dma_start3A_197 = tpu.memref_slice %arg6[%rem3A_112, %dma_start3A_195, %dma_start3A_196] : memref<2x512x32xf32, #tpu.memory_space<vmem>> -> memref<1x512x32xf32, #tpu.memory_space<vmem>>
      %dma_start3A_198 = tpu.memref_squeeze %dma_start3A_197 : memref<1x512x32xf32, #tpu.memory_space<vmem>> -> memref<512x32xf32, #tpu.memory_space<vmem>>
      tpu.enqueue_dma source(%dma_start3A_198 : memref<512x32xf32, #tpu.memory_space<vmem>>) target(%dma_start3A_194 : memref<512x32xf32, #tpu.memory_space<hbm>>) target_semaphore(%arg8 : memref<!tpu.dma_semaphore, #tpu.memory_space<semaphore_mem>>)
    }
    %scan3A_75 = arith.constant 26 : i32
    %dma_wait3A = arith.constant 0 : i32
    %dma_wait3A_76 = arith.constant 0 : i32
    %dma_wait3A_77 = arith.constant 0 : i32
    %dma_wait3A_78 = arith.constant 0 : i32
    %dma_wait3A_79 = tpu.memref_slice %arg6[%dma_wait3A, %dma_wait3A_77, %dma_wait3A_78] : memref<2x512x32xf32, #tpu.memory_space<vmem>> -> memref<1x512x32xf32, #tpu.memory_space<vmem>>
    %dma_wait3A_80 = tpu.memref_squeeze %dma_wait3A_79 : memref<1x512x32xf32, #tpu.memory_space<vmem>> -> memref<512x32xf32, #tpu.memory_space<vmem>>
    %dma_wait3A_81 = arith.constant 0 : i32
    %dma_wait3A_82 = tpu.memref_slice %arg4[%dma_wait3A_76, %mul3A_2, %dma_wait3A_81] : memref<26x16384x32xf32, #tpu.memory_space<hbm>> -> memref<1x512x32xf32, #tpu.memory_space<hbm>>
    %dma_wait3A_83 = tpu.memref_squeeze %dma_wait3A_82 : memref<1x512x32xf32, #tpu.memory_space<hbm>> -> memref<512x32xf32, #tpu.memory_space<hbm>>
    %dma_wait3A_84 = arith.constant 0 : i32
    %dma_wait3A_85 = tpu.memref_slice %arg4[%dma_wait3A_76, %mul3A_2, %dma_wait3A_84] : memref<26x16384x32xf32, #tpu.memory_space<hbm>> -> memref<1x512x32xf32, #tpu.memory_space<hbm>>
    %dma_wait3A_86 = tpu.memref_squeeze %dma_wait3A_85 : memref<1x512x32xf32, #tpu.memory_space<hbm>> -> memref<512x32xf32, #tpu.memory_space<hbm>>
    %dma_wait3A_87 = arith.constant 0 : i32
    %dma_wait3A_88 = arith.constant 0 : i32
    %dma_wait3A_89 = tpu.memref_slice %arg6[%dma_wait3A, %dma_wait3A_87, %dma_wait3A_88] : memref<2x512x32xf32, #tpu.memory_space<vmem>> -> memref<1x512x32xf32, #tpu.memory_space<vmem>>
    %dma_wait3A_90 = tpu.memref_squeeze %dma_wait3A_89 : memref<1x512x32xf32, #tpu.memory_space<vmem>> -> memref<512x32xf32, #tpu.memory_space<vmem>>
    tpu.wait_dma2 semaphore(%arg8 : memref<!tpu.dma_semaphore, #tpu.memory_space<semaphore_mem>>) src(%dma_wait3A_90 : memref<512x32xf32, #tpu.memory_space<vmem>>) dst(%dma_wait3A_86 : memref<512x32xf32, #tpu.memory_space<hbm>>)
    %dma_wait3A_91 = arith.constant 0 : i32
    %dma_wait3A_92 = arith.constant 0 : i32
    %dma_wait3A_93 = arith.constant 0 : i32
    %dma_wait3A_94 = arith.constant 0 : i32
    %dma_wait3A_95 = tpu.memref_slice %arg6[%dma_wait3A_91, %dma_wait3A_93, %dma_wait3A_94] : memref<2x512x32xf32, #tpu.memory_space<vmem>> -> memref<1x512x32xf32, #tpu.memory_space<vmem>>
    %dma_wait3A_96 = tpu.memref_squeeze %dma_wait3A_95 : memref<1x512x32xf32, #tpu.memory_space<vmem>> -> memref<512x32xf32, #tpu.memory_space<vmem>>
    %dma_wait3A_97 = arith.constant 0 : i32
    %dma_wait3A_98 = tpu.memref_slice %arg4[%dma_wait3A_92, %mul3A_2, %dma_wait3A_97] : memref<26x16384x32xf32, #tpu.memory_space<hbm>> -> memref<1x512x32xf32, #tpu.memory_space<hbm>>
    %dma_wait3A_99 = tpu.memref_squeeze %dma_wait3A_98 : memref<1x512x32xf32, #tpu.memory_space<hbm>> -> memref<512x32xf32, #tpu.memory_space<hbm>>
    %dma_wait3A_100 = arith.constant 0 : i32
    %dma_wait3A_101 = tpu.memref_slice %arg4[%dma_wait3A_92, %mul3A_2, %dma_wait3A_100] : memref<26x16384x32xf32, #tpu.memory_space<hbm>> -> memref<1x512x32xf32, #tpu.memory_space<hbm>>
    %dma_wait3A_102 = tpu.memref_squeeze %dma_wait3A_101 : memref<1x512x32xf32, #tpu.memory_space<hbm>> -> memref<512x32xf32, #tpu.memory_space<hbm>>
    %dma_wait3A_103 = arith.constant 0 : i32
    %dma_wait3A_104 = arith.constant 0 : i32
    %dma_wait3A_105 = tpu.memref_slice %arg6[%dma_wait3A_91, %dma_wait3A_103, %dma_wait3A_104] : memref<2x512x32xf32, #tpu.memory_space<vmem>> -> memref<1x512x32xf32, #tpu.memory_space<vmem>>
    %dma_wait3A_106 = tpu.memref_squeeze %dma_wait3A_105 : memref<1x512x32xf32, #tpu.memory_space<vmem>> -> memref<512x32xf32, #tpu.memory_space<vmem>>
    tpu.wait_dma2 semaphore(%arg8 : memref<!tpu.dma_semaphore, #tpu.memory_space<semaphore_mem>>) src(%dma_wait3A_106 : memref<512x32xf32, #tpu.memory_space<vmem>>) dst(%dma_wait3A_102 : memref<512x32xf32, #tpu.memory_space<hbm>>)
    return
  }
}

</mosaic_0001>

<sc_bundles>
// kernel: kernel.3.cloned.1.call-start
scs
__scs_entry_jumppad:
0x0: {  	(pc) =	sbr.rel $0x88, $3  }
0x1: {  	(tag) =	ssettag $0x0;
	lr =	simm.s32 $0x1  }
0x2: {  	[smem:$0x3F9F] =	sst lr;
	_ =	strace $0xD0000000  }
0x3: {  	_ = 	snop  }
0x4: {  	_ = 	snop  }
0x5: {  	_ = 	snop  }
0x6: {  	_ = 	snop  }
0x7: {  	_ = 	snop  }
__scs_overlays_trampoline_lowered:
0x8: {  	[smem:$0x3FAE] =	sst s0  }
0x9: {  	[smem:$0x3FAF] =	sst s1  }
0xa: {  	[smem:$0x3FB0] =	sst s2  }
0xb: {  	[smem:$0x3FB1] =	sst s3  }
0xc: {  	[smem:$0x3FB2] =	sst s4  }
0xd: {  	[smem:$0x3FB3] =	sst s5  }
0xe: {  	[smem:$0x3FB4] =	sst s6  }
0xf: {  	[smem:$0x3FB5] =	sst s7  }
0x10: {  	[smem:$0x3FB6] =	sst s8  }
0x11: {  	[smem:$0x3FB7] =	sst s9;
	s0 =	simm.s32 @!p0 $0x0  }
0x12: {  	s1 =	sld [smem:$0x3F9D];
	s0 =	simm.s32 @p0 $0x1  }
0x13: {  	[smem:$0x3FB8] =	sst s0;
	s0 =	simm.s32 @!p1 $0x0  }
0x14: {  	s2 =	sld [smem:$0x3F9C];
	s0 =	simm.s32 @p1 $0x1  }
0x15: {  	[smem:$0x3FB9] =	sst s0;
	s0 =	simm.s32 @!p2 $0x0  }
0x16: {  	s3 =	sld [smem:$0x3FDB];
	s0 =	simm.s32 @p2 $0x1  }
0x17: {  	s4 =	simm.s32 $0x1BF5;
	[smem:$0x3FBB] =	sst s0  }
0x18: {  	s0 =	sld [smem:$0x3F9E];
	_ =	swait.ge [sflag:s4], $0x0  }
0x19: {  	s7 =	sld [smem:$0x3F9F]  }
0x1a: {  	s8 =	sadd.s32 $0xFFFFE003, lr  }
0x1b: {  	s9 =	sadd.s32 $0xFFFFFEF7, lr;
	s5 =	simm.s32 $0xFFFFFFFF;
	p2 =	slt.u32 s8, $0xFFFFF086  }
0x1c: {  	p1 =	slt.u32 s9, $0xF7A;
	s5 =	simm.s32 @!p2 $0x0  }
0x1d: {  	s5 =	simm.s32 @p1 $0x1;
	p0 =	seq.s32 s7, s2  }
0x1e: {  	s7 =	smul.u32 @!p0 $0xF7A, s2;
	p2 =	seq.s32 @!p0 s5, $0x0  }
0x1f: {  	s9 =	smul.u32 $0xF7A, s1;
	s8 =	simm.s32 @!p0 $0x1BF5;
	p2 =	por !p2, p0  }
0x20: {  	[sflag:s8] =	ssyncset.s32 @!p0 $0xFFFFF086;
	s6 =	sadd.s32 @!p0 s3, s7;
	s7 =	simm.s32 @!p0 $0x108  }
0x21: {  	s3 =	sadd.s32 s3, s9;
	s6 =	sadd.s32 @!p0 $0x88, s6;
	s7 =	simm.s32 @p2 $0x1082  }
0x22: {  	[simem:s7], [sflag:s8] =	dma.local @!p0 [hbm:s6], $0xF7A  }
0x23: {  	s9 =	sor.u32 $0xD0000000, s2;
	s6 =	simm.s32 $0x108;
	_ =	swait.ge @!p0 [sflag:s8], $0x0  }
0x24: {  	s3 =	sadd.s32 $0x88, s3;
	s6 =	simm.s32 @!p1 $0x1082;
	[sflag:s4] =	ssyncset.s32 $0xFFFFF086  }
0x25: {  	[simem:s6], [sflag:s4] =	dma.local [hbm:s3], $0xF7A  }
0x26: {  	[smem:$0x3F9F] =	sst s1;
	(tag) =	ssettag s2;
	_ =	strace s9  }
0x27: {  	s1 =	sld [smem:$0x3FAF]  }
0x28: {  	s2 =	sld [smem:$0x3FB0]  }
0x29: {  	s4 =	sld [smem:$0x3FB2]  }
0x2a: {  	p0 =	seq.s32 s5, $0x0;
	s5 =	sld [smem:$0x3FB3]  }
0x2b: {  	s6 =	sld [smem:$0x3FB4]  }
0x2c: {  	s7 =	sld [smem:$0x3FB5]  }
0x2d: {  	s3 =	simm.s32 $0x108;
	s8 =	sld [smem:$0x3FB6]  }
0x2e: {  	s3 =	simm.s32 @!p0 $0x1082;
	s9 =	sld [smem:$0x3FB7]  }
0x2f: {  	lr =	sadd.s32 s0, s3;
	s0 =	sld [smem:$0x3FAE]  }
0x30: {  	s3 =	sld [smem:$0x3FB1]  }
0x31: {  	[smem:$0x3FBA] =	sst s10  }
0x32: {  	s10 =	sld [smem:$0x3FB8];
	_ =	sdelay $0x3  }
0x33: {  	p0 =	seq.s32 s10, $0x1;
	s10 =	sld [smem:$0x3FBA];
	_ =	sdelay $0x3  }
0x34: {  	[smem:$0x3FBA] =	sst s10  }
0x35: {  	s10 =	sld [smem:$0x3FB9];
	_ =	sdelay $0x3  }
0x36: {  	p1 =	seq.s32 s10, $0x1;
	s10 =	sld [smem:$0x3FBA];
	_ =	sdelay $0x3  }
0x37: {  	[smem:$0x3FBA] =	sst s10  }
0x38: {  	s10 =	sld [smem:$0x3FBB]  }
0x39: {  	_ = 	snop;
	(pc) =	sbr.ind lr, $3  }
0x3a: {  	_ = 	snop  }
0x3b: {  	_ = 	snop  }
0x3c: {  	p2 =	seq.s32 s10, $0x1;
	s10 =	sld [smem:$0x3FBA]  }
0x3d: {  	_ =	shalt  }
0x3e: {  	_ =	shalt  }
0x3f: {  	_ =	shalt  }
0x40: {  	_ =	shalt  }
0x41: {  	_ =	shalt  }
0x42: {  	_ =	shalt  }
0x43: {  	_ =	shalt  }
0x44: {  	_ =	shalt  }
0x45: {  	_ =	shalt  }
0x46: {  	_ =	shalt  }
0x47: {  	_ =	shalt  }
0x48: {  	_ =	shalt  }
0x49: {  	_ =	shalt  }
0x4a: {  	_ =	shalt  }
0x4b: {  	_ =	shalt  }
0x4c: {  	_ =	shalt  }
0x4d: {  	_ =	shalt  }
0x4e: {  	_ =	shalt  }
0x4f: {  	_ =	shalt  }
0x50: {  	_ =	shalt  }
0x51: {  	_ =	shalt  }
0x52: {  	_ =	shalt  }
0x53: {  	_ =	shalt  }
0x54: {  	_ =	shalt  }
0x55: {  	_ =	shalt  }
0x56: {  	_ =	shalt  }
0x57: {  	_ =	shalt  }
0x58: {  	_ =	shalt  }
0x59: {  	_ =	shalt  }
0x5a: {  	_ =	shalt  }
0x5b: {  	_ =	shalt  }
0x5c: {  	_ =	shalt  }
0x5d: {  	_ =	shalt  }
0x5e: {  	_ =	shalt  }
0x5f: {  	_ =	shalt  }
0x60: {  	_ =	shalt  }
0x61: {  	_ =	shalt  }
0x62: {  	_ =	shalt  }
0x63: {  	_ =	shalt  }
0x64: {  	_ =	shalt  }
0x65: {  	_ =	shalt  }
0x66: {  	_ =	shalt  }
0x67: {  	_ =	shalt  }
0x68: {  	_ =	shalt  }
0x69: {  	_ =	shalt  }
0x6a: {  	_ =	shalt  }
0x6b: {  	_ =	shalt  }
0x6c: {  	_ =	shalt  }
0x6d: {  	_ =	shalt  }
0x6e: {  	_ =	shalt  }
0x6f: {  	_ =	shalt  }
0x70: {  	_ =	shalt  }
0x71: {  	_ =	shalt  }
0x72: {  	_ =	shalt  }
0x73: {  	_ =	shalt  }
0x74: {  	_ =	shalt  }
0x75: {  	_ =	shalt  }
0x76: {  	_ =	shalt  }
0x77: {  	_ =	shalt  }
0x78: {  	_ =	shalt  }
0x79: {  	_ =	shalt  }
0x7a: {  	_ =	shalt  }
0x7b: {  	_ =	shalt  }
0x7c: {  	_ =	shalt  }
0x7d: {  	_ =	shalt  }
0x7e: {  	_ =	shalt  }
0x7f: {  	_ =	shalt  }
0x80: {  	_ =	shalt  }
0x81: {  	_ =	shalt  }
0x82: {  	_ =	shalt  }
0x83: {  	_ =	shalt  }
0x84: {  	_ =	shalt  }
0x85: {  	_ =	shalt  }
0x86: {  	_ =	shalt  }
0x87: {  	_ =	shalt  }
.Lfunc_end0:
.L_simem_size_0:
called_computation.1_lowered:
.L_overlay_start_0:
0x88: {  	s2 =	sld [smem:$0x3FD9]  }
0x89: {  	s3 =	sld [smem:$0x3FFE];
	_ =	sdelay $0x1  }
0x8a: {  	s1 =	srdreg.scid  }
0x8b: {  	s0 =	sand.u32 $0x1, s1  }
0x8c: {  	s17 =	sshll.u32 s0, $0xA;
	s2 =	sadd.s32 s3, s2  }
0x8d: {  	s2 =	sadd.s32 s2, s17  }
0x8e: {  	[smem:$0x3FC6] =	sst s2  }
0x8f: {  	_ = 	snop  }
0x90: {  	s2 =	sld [smem:$0x3FD0];
	(tm) =	ssettm $0x1  }
0x91: {  	s18 =	sld [smem:$0x3FFB];
	_ =	sdelay $0x3  }
0x92: {  	_ =	strace s18  }
0x93: {  	s3 =	sld [smem:$0x3FFC];
	_ =	sdelay $0x3  }
0x94: {  	_ =	strace s3  }
0x95: {  	s3 =	sld [smem:$0x3FFD];
	_ =	sdelay $0x3  }
0x96: {  	_ =	strace s3  }
0x97: {  	_ =	strace $0x8FFFFFFF  }
0x98: {  	s19 =	sld [smem:$0x3FDB];
	_ =	sdelay $0x1  }
0x99: {  	s4 =	simm.s32 $_scs_section_size  }
0x9a: {  	s5 =	simm.s32 $_size__tile_overlayer_lowered;
	s6 =	simm.s32 $_tile_overlayer_lowered  }
0x9b: {  	s22 =	simm.s32 $0x1BFF;
	s21 =	sshll.u32 s6, $0x1;
	s3 =	sadd.s32 s4, s19  }
0x9c: {  	s7 =	simm.s32 $0x0;
	s20 =	sshll.u32 s5, $0x1;
	s5 =	sadd.s32 s21, s3  }
0x9d: {  	[timem:s7], [sflag:s22] =	dma.local [hbm:s5], s20  }
0x9e: {  	_ =	swait.ge [sflag:s22], s20  }
0x9f: {  	s4 =	ssub.s32 $0x0, s20;
	[sflag:s22] =	ssyncset.done $0x0  }
0xa0: {  	[sflag:s22] =	ssyncadd.s32 s4;
	_ =	sdelay $0x1  }
0xa1: {  	s23 =	simm.s32 $0x1B8B  }
0xa2: {  	_ =	swait.ge [sflag:s23], $0x1  }
0xa3: {  	[sflag:s23] =	ssyncset.done $0x0  }
0xa4: {  	s25 =	simm.s32 $0x1B8E;
	s24 =	sld [smem:$0x3FFE];
	[sflag:s23] =	ssyncadd.s32 $0xFFFFFFFF  }
0xa5: {  	s26 =	simm.s32 $execute0_lowered;
	[smem:$0x3FD2] =	sst s25  }
0xa6: {  	s5 =	sshll.u32 s26, $0x1;
	_ =	strace $0x80000046;
	[dreg:$0x1] =	wrdreg $0xFFFFFFFF  }
0xa7: {  	s28 =	simm.s32 $_size_execute0_lowered;
	s3 =	sadd.s32 s3, s5;
	[dreg:$0x0] =	wrdreg $0x0  }
0xa8: {  	s5 =	sshll.u32 s28, $0x1;
	[dreg:$0x2] =	wrdreg s3  }
0xa9: {  	[dreg:$0x3] =	wrdreg s5  }
0xaa: {  	[dreg:$0x4] =	wrdreg $0xC0  }
0xab: {  	_ =	task [dreg:s7], $0x5FFFF  }
0xac: {  	[dreg:$0x1] =	wrdreg $0xFFFFFFFF  }
0xad: {  	[dreg:$0x0] =	wrdreg $0x60  }
0xae: {  	[dreg:$0x2] =	wrdreg s24  }
0xaf: {  	[dreg:$0x3] =	wrdreg s2  }
0xb0: {  	[dreg:$0x4] =	wrdreg $0x9  }
0xb1: {  	_ =	task.clear_ibuf [dreg:s7], $0x5FFFF;
	_ =	strace $0x90000046  }
0xb2: {  	s29 =	simm.s32 $0x9;
	_ =	strace $0x80000048  }
0xb3: {  	_ =	swait.ge [sflag:s29], $0x1  }
0xb4: {  	[sflag:s29] =	ssyncadd.s32 $0xFFFFFFFF  }
0xb5: {  	_ =	strace $0x90000048  }
0xb6: {  	_ =	sfence  }
0xb7: {  	s30 =	sld [smem:$0x0];
	_ =	sdelay $0x2  }
0xb8: {  	s31 =	sshll.u32 s1, $0xD;
	s1 =	sshrl.u32 s1, $0x2  }
0xb9: {  	s3 =	sand.u32 $0x4000, s31;
	s1 =	sadd.s32 s1, s30  }
0xba: {  	s0 =	sor.u32 s3, s0;
	s1 =	sshll.u32 s1, $0x11  }
0xbb: {  	s0 =	sor.u32 s1, s0  }
0xbc: {  	s0 =	sadd.s32 $0x8F2B, s0  }
0xbd: {  	[sflag:s0] =	ssyncadd.remote.s32 $0x1  }
0xbe: {  	_ =	sfence.sel $0xFFFF  }
0xbf: {  	[dreg:$0x0] =	wrdreg $0xFFFFFFFF;
	(pc) =	sbr.abs _section_cstart, $3  }
0xc0: {  	[dreg:$0x1] =	wrdreg $0xFFFFFFFF  }
0xc1: {  	_ =	task.clear_ibuf [dreg:s7], $0x2FFFF;
	_ =	strace $0x9FFFFFFF  }
0xc2: {  	(tm) =	ssettm $0x7FFFFFFF  }
0xc3: {  	_ =	shalt  }
tec
execute0_lowered:
.L_overlay_start_1:
0x0: {  	(tag) =	ssettag $0x1  }
0x1: {  	s0 =	rddreg [dreg:$0x0]  }
0x2: {  	s1 =	rddreg [dreg:$0x1]  }
0x3: {  	s3 =	srdreg.scid;
	s9 =	stileid.u32;
	s2 =	simm.s32 $0x0  }
0x4: {  	s12 =	simm.s32 $0x3;
	s13 =	simm.s32 $0x80;
	s14 =	simm.s32 $0x4000  }
0x5: {  	s16 =	simm.s32 $0x5000;
	s18 =	simm.s32 $0x6000;
	s20 =	simm.s32 $0x7000  }
0x6: {  	s21 =	simm.s32 $0x1;
	s22 =	simm.s32 $0x8000;
	s30 =	simm.s32 $0x100  }
0x7: {  	s31 =	simm.s32 $0x500;
	s10 =	simm.s32 $0x2;
	s11 =	simm.s32 $0x0  }
0x8: {  	s6 =	sand.u32 $0x1, s3;
	s24 =	sshll.u32 s9, $0x1;
	[smem:$0x7FF] =	sst s2  }
0x9: {  	s26 =	sshll.u32 s9, $0xC;
	s5 =	sor.u32 s6, s24;
	s4 =	ssub.s32 $0x2, s6  }
0xa: {  	_ =	strace $0x80000047;
	s28 =	sshll.u32 s6, $0xB;
	s3 =	sshll.u32 s5, $0x9  }
0xb: {  	s7 =	sshrl.u32 s4, $0x1;
	s5 =	sshll.u32 s5, $0xB;
	s8 =	sadd.s32 s3, s0  }
0xc: {  	s3 =	sadd.s32 $0xF42E00, s0;
	s25 =	ssub.s32 s4, s7;
	s5 =	sadd.s32 s1, s5  }
0xd: {  	s1 =	sadd.s32 s26, s1;
	s0 =	simm.s32 $0x900;
	s4 =	sadd.s32 $0xA00, s8  }
0xe: {  	s6 =	smax.u32 s25, $0x1;
	s7 =	sadd.s32 $0x10000, s5;
	s29 =	sadd.s32 s28, s1  }
0xf: {  	s8 =	sadd.s32 $0x190000, s5;
	s1 =	simm.s32 $0xD00;
	s9 =	sadd.s32 $0x20000, s29  }
.LBB2_1:
0x10: {  	s15 =	simm.s32 $0x1000;
	s17 =	simm.s32 $0x20000  }
0x11: {  	[tilespmem:s2], [sflag:$0x3] =	stream.strided.gather [hbm4b:s4+s15], $0x4000, s17, s15, $0x38;
	[tilespmem:$0xC000] =	vst v63  }
0x12: {  	_ =	swait.ge [sflag:s12], $0x4000  }
0x13: {  	[sflag:s12] =	ssyncset.done $0x0  }
0x14: {  	[sflag:s12] =	ssyncadd.s32 $0xFFFFC000  }
0x15: {  	[tilespmem:s14], [sflag:$0x1] =	stream.indirect.gather [hbm4b:s3+s13], $0x20, s2, s13, $0xb8;
	[tilespmem:$0xC000] =	vst v63  }
0x16: {  	s26 =	simm.s32 $0x400  }
0x17: {  	[tilespmem:s16], [sflag:$0x1] =	stream.indirect.gather [hbm4b:s3+s13], $0x20, s26, s13, $0xb8;
	[tilespmem:$0xC000] =	vst v63  }
0x18: {  	s28 =	simm.s32 $0x800  }
0x19: {  	[tilespmem:s18], [sflag:$0x1] =	stream.indirect.gather [hbm4b:s3+s13], $0x20, s28, s13, $0xb8;
	[tilespmem:$0xC000] =	vst v63  }
0x1a: {  	s29 =	simm.s32 $0xC00  }
0x1b: {  	[tilespmem:s20], [sflag:$0x1] =	stream.indirect.gather [hbm4b:s3+s13], $0x20, s29, s13, $0xb8;
	[tilespmem:$0xC000] =	vst v63  }
0x1c: {  	_ =	swait.ge [sflag:s21], $0x1000  }
0x1d: {  	[sflag:s21] =	ssyncset.done $0x0  }
0x1e: {  	[sflag:s21] =	ssyncadd.s32 $0xFFFFF000  }
0x1f: {  	_ =	swait.ge [sflag:s21], $0x1000  }
0x20: {  	[sflag:s21] =	ssyncset.done $0x0  }
0x21: {  	[sflag:s21] =	ssyncadd.s32 $0xFFFFF000  }
0x22: {  	_ =	swait.ge [sflag:s21], $0x1000  }
0x23: {  	[sflag:s21] =	ssyncset.done $0x0  }
0x24: {  	[sflag:s21] =	ssyncadd.s32 $0xFFFFF000  }
0x25: {  	_ =	swait.ge [sflag:s21], $0x1000  }
0x26: {  	[sflag:s21] =	ssyncset.done $0x0  }
0x27: {  	[sflag:s21] =	ssyncadd.s32 $0xFFFFF000  }
0x28: {  	[tilespmem:s22], [sflag:$0x1] =	stream.indirect.gather [hbm4b:s3+s13], $0x20, s13, s13, $0xb8;
	[tilespmem:$0xC000] =	vst v63  }
0x29: {  	s19 =	simm.s32 $0x9000;
	s17 =	simm.s32 $0x480  }
0x2a: {  	[tilespmem:s19], [sflag:$0x1] =	stream.indirect.gather [hbm4b:s3+s13], $0x20, s17, s13, $0xb8;
	[tilespmem:$0xC000] =	vst v63  }
0x2b: {  	s23 =	simm.s32 $0x880;
	s24 =	simm.s32 $0xA000  }
0x2c: {  	[tilespmem:s24], [sflag:$0x1] =	stream.indirect.gather [hbm4b:s3+s13], $0x20, s23, s13, $0xb8;
	[tilespmem:$0xC000] =	vst v63  }
0x2d: {  	s25 =	simm.s32 $0xC80;
	s26 =	simm.s32 $0xB000  }
0x2e: {  	[tilespmem:s26], [sflag:$0x1] =	stream.indirect.gather [hbm4b:s3+s13], $0x20, s25, s13, $0xb8;
	[tilespmem:$0xC000] =	vst v63  }
0x2f: {  	_ = 	snop  }
0x30: {  	[hbm4b:s5+s2] =	stream.linear.scatter [tilespmem:s14], [sflag:$0x2], $0x4000, $0x38;
	[tilespmem:$0xC000] =	vst v63  }
0x31: {  	_ =	swait.ge [sflag:s21], $0x1000  }
0x32: {  	[sflag:s21] =	ssyncset.done $0x0  }
0x33: {  	[sflag:s21] =	ssyncadd.s32 $0xFFFFF000  }
0x34: {  	_ =	swait.ge [sflag:s21], $0x1000  }
0x35: {  	[sflag:s21] =	ssyncset.done $0x0  }
0x36: {  	[sflag:s21] =	ssyncadd.s32 $0xFFFFF000  }
0x37: {  	_ =	swait.ge [sflag:s21], $0x1000  }
0x38: {  	[sflag:s21] =	ssyncset.done $0x0  }
0x39: {  	[sflag:s21] =	ssyncadd.s32 $0xFFFFF000  }
0x3a: {  	_ =	swait.ge [sflag:s21], $0x1000  }
0x3b: {  	[sflag:s21] =	ssyncset.done $0x0  }
0x3c: {  	[sflag:s21] =	ssyncadd.s32 $0xFFFFF000  }
0x3d: {  	[tilespmem:s14], [sflag:$0x1] =	stream.indirect.gather [hbm4b:s3+s13], $0x20, s30, s13, $0xb8;
	[tilespmem:$0xC000] =	vst v63  }
0x3e: {  	_ = 	snop  }
0x3f: {  	[tilespmem:s16], [sflag:$0x1] =	stream.indirect.gather [hbm4b:s3+s13], $0x20, s31, s13, $0xb8;
	[tilespmem:$0xC000] =	vst v63  }
0x40: {  	_ = 	snop  }
0x41: {  	[tilespmem:s18], [sflag:$0x1] =	stream.indirect.gather [hbm4b:s3+s13], $0x20, s0, s13, $0xb8;
	[tilespmem:$0xC000] =	vst v63  }
0x42: {  	_ = 	snop  }
0x43: {  	[tilespmem:s20], [sflag:$0x1] =	stream.indirect.gather [hbm4b:s3+s13], $0x20, s1, s13, $0xb8;
	[tilespmem:$0xC000] =	vst v63  }
0x44: {  	_ = 	snop  }
0x45: {  	[hbm4b:s7+s2] =	stream.linear.scatter [tilespmem:s22], [sflag:$0x2], $0x4000, $0x38;
	[tilespmem:$0xC000] =	vst v63  }
0x46: {  	_ =	swait.ge [sflag:s21], $0x1000  }
0x47: {  	[sflag:s21] =	ssyncset.done $0x0  }
0x48: {  	[sflag:s21] =	ssyncadd.s32 $0xFFFFF000  }
0x49: {  	_ =	swait.ge [sflag:s21], $0x1000  }
0x4a: {  	[sflag:s21] =	ssyncset.done $0x0  }
0x4b: {  	[sflag:s21] =	ssyncadd.s32 $0xFFFFF000  }
0x4c: {  	_ =	swait.ge [sflag:s21], $0x1000  }
0x4d: {  	s28 =	simm.s32 $0x180;
	[sflag:s21] =	ssyncset.done $0x0  }
0x4e: {  	s15 =	sand.u32 $0x380, s28;
	s19 =	simm.s32 $0x30000;
	[sflag:s21] =	ssyncadd.s32 $0xFFFFF000  }
0x4f: {  	s29 =	simm.s32 $0x600;
	s19 =	sand.u32 $0x10000, s19;
	_ =	swait.ge [sflag:s21], $0x1000  }
0x50: {  	s17 =	sand.u32 $0x7000, s29;
	s19 =	sshrl.u32 s19, $0x2;
	[sflag:s21] =	ssyncset.done $0x0  }
0x51: {  	s17 =	sor.u32 s15, s17;
	s23 =	sadd.s32 $0x4000, s19;
	[sflag:s21] =	ssyncadd.s32 $0xFFFFF000  }
0x52: {  	[tilespmem:s23], [sflag:$0x1] =	stream.indirect.gather [hbm4b:s3+s13], $0x20, s17, s13, $0xb8;
	[tilespmem:$0xC000] =	vst v63  }
0x53: {  	s24 =	sor.u32 $0x400, s17;
	s23 =	sadd.s32 $0x5000, s19  }
0x54: {  	[tilespmem:s23], [sflag:$0x1] =	stream.indirect.gather [hbm4b:s3+s13], $0x20, s24, s13, $0xb8;
	[tilespmem:$0xC000] =	vst v63  }
0x55: {  	s25 =	sadd.s32 $0x6000, s19;
	s26 =	simm.s32 $0x20000;
	s24 =	sor.u32 $0x800, s17  }
0x56: {  	[tilespmem:s25], [sflag:$0x1] =	stream.indirect.gather [hbm4b:s3+s13], $0x20, s24, s13, $0xb8;
	[tilespmem:$0xC000] =	vst v63  }
0x57: {  	s28 =	sand.u32 $0x10000, s26;
	s19 =	sadd.s32 $0x7000, s19;
	s17 =	sor.u32 $0xC00, s17  }
0x58: {  	[tilespmem:s19], [sflag:$0x1] =	stream.indirect.gather [hbm4b:s3+s13], $0x20, s17, s13, $0xb8;
	[tilespmem:$0xC000] =	vst v63  }
0x59: {  	s15 =	simm.s32 $0x10000;
	s29 =	sshrl.u32 s28, $0x2;
	_ =	swait.ge [sflag:s10], $0x4000  }
0x5a: {  	s23 =	sadd.s32 $0x0, s9;
	s24 =	sadd.s32 $0x4000, s29;
	[sflag:s10] =	ssyncset.done $0x0  }
0x5b: {  	s17 =	simm.s32 $0x800;
	s19 =	simm.s32 $0x200;
	[sflag:s10] =	ssyncadd.s32 $0xFFFFC000  }
.LBB2_2:
0x5c: {  	[hbm4b:s23+s2] =	stream.linear.scatter [tilespmem:s24], [sflag:$0x2], $0x4000, $0x38;
	[tilespmem:$0xC000] =	vst v63  }
0x5d: {  	s23 =	smov.u32 s15  }
0x5e: {  	p0 =	sne.s32 s15, $0x160000;
	s15 =	sadd.s32 $0x10000, s15;
	_ =	swait.ge [sflag:s21], $0x1000  }
0x5f: {  	[sflag:s21] =	ssyncset.done $0x0  }
0x60: {  	[sflag:s21] =	ssyncadd.s32 $0xFFFFF000  }
0x61: {  	_ =	swait.ge [sflag:s21], $0x1000  }
0x62: {  	[sflag:s21] =	ssyncset.done $0x0  }
0x63: {  	[sflag:s21] =	ssyncadd.s32 $0xFFFFF000  }
0x64: {  	_ =	swait.ge [sflag:s21], $0x1000  }
0x65: {  	[sflag:s21] =	ssyncset.done $0x0  }
0x66: {  	s24 =	sadd.s32 $0x30000, s23;
	[sflag:s21] =	ssyncadd.s32 $0xFFFFF000  }
0x67: {  	s25 =	sand.u32 $0x380, s19;
	s24 =	sand.u32 $0x10000, s24;
	_ =	swait.ge [sflag:s21], $0x1000  }
0x68: {  	s26 =	sand.u32 $0x7000, s17;
	s24 =	sshrl.u32 s24, $0x2;
	[sflag:s21] =	ssyncset.done $0x0  }
0x69: {  	s25 =	sor.u32 s25, s26;
	s28 =	sadd.s32 $0x4000, s24;
	[sflag:s21] =	ssyncadd.s32 $0xFFFFF000  }
0x6a: {  	[tilespmem:s28], [sflag:$0x1] =	stream.indirect.gather [hbm4b:s3+s13], $0x20, s25, s13, $0xb8;
	[tilespmem:$0xC000] =	vst v63  }
0x6b: {  	s26 =	sadd.s32 $0x5000, s24;
	s28 =	sor.u32 $0x400, s25  }
0x6c: {  	[tilespmem:s26], [sflag:$0x1] =	stream.indirect.gather [hbm4b:s3+s13], $0x20, s28, s13, $0xb8;
	[tilespmem:$0xC000] =	vst v63  }
0x6d: {  	s29 =	sadd.s32 $0x20000, s23;
	s26 =	sadd.s32 $0x6000, s24;
	s28 =	sor.u32 $0x800, s25  }
0x6e: {  	[tilespmem:s26], [sflag:$0x1] =	stream.indirect.gather [hbm4b:s3+s13], $0x20, s28, s13, $0xb8;
	[tilespmem:$0xC000] =	vst v63  }
.Ltmp0:
0x6f: {  	s24 =	sadd.s32 $0x7000, s24;
	s25 =	sor.u32 $0xC00, s25;
	(pc) =	sbr.rel @p0 .LBB2_2-.Ltmp0, $4  }
0x70: {  	[tilespmem:s24], [sflag:$0x1] =	stream.indirect.gather [hbm4b:s3+s13], $0x20, s25, s13, $0xb8;
	[tilespmem:$0xC000] =	vst v63  }
0x71: {  	s17 =	sadd.s32 $0x200, s17;
	s24 =	sand.u32 $0x10000, s29;
	_ =	swait.ge [sflag:s10], $0x4000  }
0x72: {  	s19 =	sadd.s32 $0x80, s19;
	s24 =	sshrl.u32 s24, $0x2;
	[sflag:s10] =	ssyncset.done $0x0  }
0x73: {  	s23 =	sadd.s32 s23, s9;
	s24 =	sadd.s32 $0x4000, s24;
	[sflag:s10] =	ssyncadd.s32 $0xFFFFC000  }
0x74: {  	[hbm4b:s23+s2] =	stream.linear.scatter [tilespmem:s24], [sflag:$0x2], $0x4000, $0x38;
	[tilespmem:$0xC000] =	vst v63  }
0x75: {  	_ =	swait.ge [sflag:s21], $0x1000  }
0x76: {  	[sflag:s21] =	ssyncset.done $0x0  }
0x77: {  	[sflag:s21] =	ssyncadd.s32 $0xFFFFF000  }
0x78: {  	_ =	swait.ge [sflag:s21], $0x1000  }
0x79: {  	[sflag:s21] =	ssyncset.done $0x0  }
0x7a: {  	[sflag:s21] =	ssyncadd.s32 $0xFFFFF000  }
0x7b: {  	_ =	swait.ge [sflag:s21], $0x1000  }
0x7c: {  	[sflag:s21] =	ssyncset.done $0x0  }
0x7d: {  	[sflag:s21] =	ssyncadd.s32 $0xFFFFF000  }
0x7e: {  	_ =	swait.ge [sflag:s21], $0x1000  }
0x7f: {  	[sflag:s21] =	ssyncset.done $0x0  }
0x80: {  	[sflag:s21] =	ssyncadd.s32 $0xFFFFF000  }
0x81: {  	_ =	swait.ge [sflag:s10], $0x4000  }
0x82: {  	[sflag:s10] =	ssyncset.done $0x0  }
0x83: {  	s11 =	sadd.s32 $0x1, s11;
	[sflag:s10] =	ssyncadd.s32 $0xFFFFC000  }
0x84: {  	[hbm4b:s8+s2] =	stream.linear.scatter [tilespmem:s22], [sflag:$0x2], $0x4000, $0x38;
	[tilespmem:$0xC000] =	vst v63  }
0x85: {  	p0 =	sne.s32 s11, s6;
	_ =	swait.ge [sflag:s10], $0x4000  }
.Ltmp1:
0x86: {  	[sflag:s10] =	ssyncset.done $0x0;
	(pc) =	sbr.rel @p0 .LBB2_1-.Ltmp1, $4  }
0x87: {  	[sflag:s10] =	ssyncadd.s32 $0xFFFFC000  }
0x88: {  	_ =	swait.ge [sflag:s10], $0x4000  }
0x89: {  	[sflag:s10] =	ssyncset.done $0x0  }
0x8a: {  	[sflag:s10] =	ssyncadd.s32 $0xFFFFC000  }
0x8b: {  	_ =	sfence.sel $0x180000  }
0x8c: {  	[bflag:$0x0] =	sbarrier.arrive $0xFFFF  }
0x8d: {  	_ =	strace $0x90000047  }
0x8e: {  	s0 =	stileid.u32;
	[bflag:$0x2] =	sbarrier.arrive $0xFFFF  }
0x8f: {  	p0 =	sne.s32 s0, $0x0;
	s0 =	rddreg [dreg:$0x2]  }
0x90: {  	s0 =	sadd.s32 @!p0 $0x100000, s0  }
0x91: {  	[sflag:s0] =	ssyncadd.tile.s32 @!p0 $0x1;
	_ =	shalt  }
.Lfunc_end2:
_tile_overlayer_lowered:
.L_overlay_start_2:
0x92: {  	(tag) =	ssettag $0x2  }
0x93: {  	s0 =	rddreg [dreg:$0x0];
	s2 =	stileid.u32  }
0x94: {  	s1 =	rddreg [dreg:$0x1];
	p0 =	sne.s32 s2, $0x0  }
0x95: {  	s3 =	rddreg [dreg:$0x2];
	[bflag:$0x3] =	sbarrier.arrive $0xFFFF;
	s2 =	simm.s32 @!p0 $0x1C03  }
0x96: {  	[timem:s3], [sflag:s2] =	dma.local @!p0 [hbm:s0], s1  }
0x97: {  	s0 =	simm.s32 @!p0 $0x3  }
0x98: {  	_ =	swait.ge @!p0 [sflag:s0], s1  }
0x99: {  	s1 =	ssub.s32 @!p0 $0x0, s1;
	[sflag:s0] =	ssyncset.done @!p0 $0x0  }
0x9a: {  	[sflag:s0] =	ssyncadd.s32 @!p0 s1  }
0x9b: {  	[bflag:$0x3] =	sbarrier.arrive $0xFFFF  }
0x9c: {  	_ =	shalt  }

// kernel: sparse-core-data-format-call.cloned.1.call-start
scs
called_computation_lowered:
.L_overlay_start_0:
0x0: {  	s2 =	sld [smem:$0x3FD9]  }
0x1: {  	s3 =	sld [smem:$0x3FFE];
	_ =	sdelay $0x1  }
0x2: {  	s1 =	srdreg.scid  }
0x3: {  	s0 =	sand.u32 $0x1, s1  }
0x4: {  	s18 =	sshll.u32 s0, $0xA;
	s2 =	sadd.s32 s3, s2  }
0x5: {  	s2 =	sadd.s32 s2, s18  }
0x6: {  	[smem:$0x3FC6] =	sst s2  }
0x7: {  	_ = 	snop  }
0x8: {  	s2 =	sld [smem:$0x3FD0];
	(tm) =	ssettm $0x1  }
0x9: {  	s19 =	sld [smem:$0x3FFB];
	_ =	sdelay $0x3  }
0xa: {  	_ =	strace s19  }
0xb: {  	s3 =	sld [smem:$0x3FFC];
	_ =	sdelay $0x3  }
0xc: {  	_ =	strace s3  }
0xd: {  	s3 =	sld [smem:$0x3FFD];
	_ =	sdelay $0x3  }
0xe: {  	_ =	strace s3  }
0xf: {  	_ =	strace $0x8FFFFFFF  }
0x10: {  	s20 =	sld [smem:$0x3FDB];
	_ =	sdelay $0x1  }
0x11: {  	s4 =	simm.s32 $_scs_section_size  }
0x12: {  	s5 =	simm.s32 $_size__tile_overlayer_lowered;
	s6 =	simm.s32 $_tile_overlayer_lowered  }
0x13: {  	s23 =	simm.s32 $0x1BFF;
	s22 =	sshll.u32 s6, $0x1;
	s3 =	sadd.s32 s4, s20  }
0x14: {  	s7 =	simm.s32 $0x0;
	s21 =	sshll.u32 s5, $0x1;
	s5 =	sadd.s32 s22, s3  }
0x15: {  	[timem:s7], [sflag:s23] =	dma.local [hbm:s5], s21  }
0x16: {  	_ =	swait.ge [sflag:s23], s21  }
0x17: {  	s4 =	ssub.s32 $0x0, s21;
	[sflag:s23] =	ssyncset.done $0x0  }
0x18: {  	[sflag:s23] =	ssyncadd.s32 s4;
	_ =	sdelay $0x1  }
0x19: {  	s24 =	simm.s32 $0x1B8B  }
0x1a: {  	_ =	swait.ge [sflag:s24], $0x1  }
0x1b: {  	[sflag:s24] =	ssyncset.done $0x0  }
0x1c: {  	s26 =	simm.s32 $0x1B8E;
	s25 =	sld [smem:$0x3FFE];
	[sflag:s24] =	ssyncadd.s32 $0xFFFFFFFF  }
0x1d: {  	s27 =	simm.s32 $execute0_lowered;
	[smem:$0x3FD2] =	sst s26  }
0x1e: {  	s5 =	sshll.u32 s27, $0x1;
	_ =	strace $0x80000049;
	[dreg:$0x1] =	wrdreg $0xFFFFFFFF  }
0x1f: {  	s28 =	simm.s32 $_size_execute0_lowered;
	s3 =	sadd.s32 s3, s5;
	[dreg:$0x0] =	wrdreg $0x0  }
0x20: {  	s5 =	sshll.u32 s28, $0x1;
	[dreg:$0x2] =	wrdreg s3  }
0x21: {  	[dreg:$0x3] =	wrdreg s5  }
0x22: {  	[dreg:$0x4] =	wrdreg $0xC0  }
0x23: {  	_ =	task [dreg:s7], $0x5FFFF  }
0x24: {  	[dreg:$0x1] =	wrdreg $0xFFFFFFFF  }
0x25: {  	[dreg:$0x0] =	wrdreg $0x60  }
0x26: {  	[dreg:$0x2] =	wrdreg s25  }
0x27: {  	[dreg:$0x3] =	wrdreg s2  }
0x28: {  	[dreg:$0x4] =	wrdreg $0x9  }
0x29: {  	_ =	task.clear_ibuf [dreg:s7], $0x5FFFF;
	_ =	strace $0x90000049  }
0x2a: {  	s29 =	simm.s32 $0x9;
	_ =	strace $0x8000004B  }
0x2b: {  	_ =	swait.ge [sflag:s29], $0x1  }
0x2c: {  	[sflag:s29] =	ssyncadd.s32 $0xFFFFFFFF  }
0x2d: {  	_ =	strace $0x9000004B  }
0x2e: {  	_ =	sfence  }
0x2f: {  	s30 =	sld [smem:$0x0];
	_ =	sdelay $0x2  }
0x30: {  	s31 =	sshll.u32 s1, $0xD;
	s1 =	sshrl.u32 s1, $0x2  }
0x31: {  	s3 =	sand.u32 $0x4000, s31;
	s1 =	sadd.s32 s1, s30  }
0x32: {  	s0 =	sor.u32 s3, s0;
	s1 =	sshll.u32 s1, $0x11  }
0x33: {  	s0 =	sor.u32 s1, s0  }
0x34: {  	s0 =	sadd.s32 $0x8F2B, s0  }
0x35: {  	[sflag:s0] =	ssyncadd.remote.s32 $0x1  }
0x36: {  	_ =	sfence.sel $0xFFFF  }
0x37: {  	[dreg:$0x0] =	wrdreg $0xFFFFFFFF;
	(pc) =	sbr.abs _section_cstart, $3  }
0x38: {  	[dreg:$0x1] =	wrdreg $0xFFFFFFFF  }
0x39: {  	_ =	task.clear_ibuf [dreg:s7], $0x2FFFF;
	_ =	strace $0x9FFFFFFF  }
0x3a: {  	(tm) =	ssettm $0x7FFFFFFF  }
0x3b: {  	_ =	shalt  }
tec
execute0_lowered:
.L_overlay_start_1:
0x0: {  	(tag) =	ssettag $0x1  }
0x1: {  	s0 =	srdreg.scid  }
0x2: {  	s1 =	sshll.u32 s0, $0x4  }
0x3: {  	s0 =	stileid.u32;
	s1 =	sand.u32 $0x10, s1  }
0x4: {  	s7 =	rddreg [dreg:$0x0];
	s1 =	sor.u32 s0, s1  }
0x5: {  	s4 =	simm.s32 $0x1;
	s8 =	simm.s32 $0x2;
	s2 =	sshll.u32 s1, $0x7  }
0x6: {  	s13 =	simm.s32 $0x0;
	s9 =	simm.s32 $0x20000;
	s1 =	ssub.s32 $0x4000, s2  }
0x7: {  	s14 =	simm.s32 $0x0;
	s11 =	simm.s32 $0x0;
	s3 =	sand.u32 $0xF80, s1  }
0x8: {  	s12 =	simm.s32 $0x0;
	s5 =	sshrl.u32 s1, $0xC;
	p0 =	sne.s32 s3, $0x0  }
.Ltmp0:
0x9: {  	s1 =	rddreg [dreg:$0x2];
	s4 =	simm.s32 @!p0 $0x0;
	(pc) =	sbr.rel .LBB1_1-.Ltmp0, $4  }
0xa: {  	s6 =	sadd.s32 $0xA00, s7;
	s3 =	rddreg [dreg:$0x1];
	s5 =	sadd.s32 s4, s5  }
0xb: {  	_ =	strace $0x8000004A;
	s4 =	simm.s32 $0x1;
	s5 =	smul.u32 $0xD, s5  }
0xc: {  	s7 =	sadd.s32 $0x40A00, s7;
	s10 =	smov.u32 s2;
	[sflag:s4] =	ssyncpa.u1 $0x0  }
0xd: {  	p0 =	por $0x0, $0x0;
	[sflag:s8] =	ssyncpa.u1 $0x0;
	s8 =	sadd.s32 $0x1, s5  }
.LBB1_7:
0xe: {  	s15 =	sadd.s32 $0x1000, s10  }
0xf: {  	s13 =	sadd.s32 $0x2, s11;
	s17 =	smov.u32 s11;
	p2 =	sgt.s32 s15, $0x3FFF  }
0x10: {  	s17 =	smov.u32 @p2 s13  }
0x11: {  	s15 =	smov.u32 @p2 s2;
	p2 =	sgt.s32 s17, $0x19  }
0x12: {  	s17 =	simm.s32 @p2 $0x0;
	p2 =	sne.s32 s12, s8  }
.Ltmp1:
0x13: {  	p1 =	slt.u32 s12, $0x2;
	(pc) =	sbr.rel @!p2 .LBB1_8-.Ltmp1, $4  }
0x14: {  	s16 =	simm.s32 @!p1 $0x2  }
0x15: {  	s14 =	smov.u32 s11;
	p0 =	por !p0, !p0;
	_ =	swait.ge @!p1 [sflag:s16], $0x2000  }
0x16: {  	s13 =	smov.u32 s10;
	[sflag:s16] =	ssyncset.done @!p1 $0x0;
	s10 =	smov.u32 s15  }
0x17: {  	s12 =	sadd.s32 $0x1, s12;
	[sflag:s16] =	ssyncadd.s32 @!p1 $0xFFFFE000;
	s11 =	smov.u32 s17  }
.LBB1_1:
0x18: {  	p1 =	sge.u32 s12, s5  }
0x19: {  	s15 =	sxor.u32 @!p1 $0xFFFFFFFF, s12;
	s16 =	sshll.u32 @!p1 s11, $0x12  }
0x1a: {  	s17 =	sshll.u32 @!p1 s10, $0x4;
	s19 =	simm.s32 @!p1 $0x20;
	s20 =	simm.s32 @!p1 $0x80  }
0x1b: {  	s15 =	sshll.u32 @!p1 s15, $0xD;
	s17 =	sand.u32 @!p1 $0x3FFF0, s17;
	s18 =	sadd.s32 @!p1 s6, s16  }
0x1c: {  	s16 =	sadd.s32 @!p1 s16, s7;
	s15 =	sand.u32 @!p1 $0x2000, s15;
	s18 =	sadd.s32 @!p1 s17, s18  }
0x1d: {  	[tilespmem:s15], [sflag:$0x1] =	stream.strided.gather @!p1 [hbm4b:s18+s19], $0x1000, s20, s19, $0x38;
	[tilespmem:$0x8080] =	vst v63  }
0x1e: {  	s31 =	sadd.s32 $0xFFFFFFFF, s12;
	s16 =	sadd.s32 @!p1 s17, s16;
	s15 =	sor.u32 @!p1 $0x1000, s15  }
0x1f: {  	[tilespmem:s15], [sflag:$0x1] =	stream.strided.gather @!p1 [hbm4b:s16+s19], $0x1000, s20, s19, $0x38;
	[tilespmem:$0x8080] =	vst v63  }
0x20: {  	p1 =	sge.u32 s31, s5  }
.Ltmp2:
0x21: {  	_ = 	snop;
	(pc) =	sbr.rel @p1 .LBB1_7-.Ltmp2, $1  }
0x22: {  	_ =	sdelay $0x3  }
0x23: {  	s15 =	simm.s32 $0x1;
	s17 =	sand.u32 $0x1, s12  }
0x24: {  	_ =	swait.ge [sflag:s4], $0x2000;
	s15 =	simm.s32 @!p0 $0x0;
	s17 =	smul.u32 $0x8100, s17  }
0x25: {  	p2 =	por $0x1, $0x1;
	[sflag:s4] =	ssyncset.done $0x0;
	s16 =	smul.u32 $0x8100, s15  }
0x26: {  	s18 =	sshll.u32 s15, $0xF;
	[sflag:s4] =	ssyncadd.s32 $0xFFFFE000;
	s30 =	sshrl.u32 s17, $0x2  }
0x27: {  	s31 =	sshrl.u32 s18, $0x2;
	s18 =	simm.s32 $0x0;
	s16 =	sshrl.u32 s16, $0x2  }
0x28: {  	s15 =	sor.u32 $0x4000, s30;
	s17 =	sadd.s32 $0x10, s31;
	s16 =	sor.u32 $0x4000, s16  }
.LBB1_3:
0x29: {  	s19 =	sshll.u32 s18, $0xC  }
0x2a: {  	s19 =	sand.u32 $0x3FFFF000, s19  }
0x2b: {  	s20 =	sadd.s32 s19, s17  }
0x2c: {  	s31 =	smul.u32 $0x4080, s18;
	v1 =	vld [tilespmem:s20+$0x0]  }
0x2d: {  	v0 =	vld [tilespmem:s20+$0xFFFFFFF0]  }
0x2e: {  	s18 =	sshra.s32 s31, $0x2  }
0x2f: {  	s18 =	sadd.s32 s18, s16  }
0x30: {  	s21 =	sadd.s32 $0x0, s18  }
0x31: {  	p1 =	por p2, p2;
	s19 =	simm.s32 $0x4;
	s20 =	sadd.s32 $0x20, s20;
	[tilespmem:s21+$0x810 ss:$0x81] =	vst.msk $0xffff, v1  }
.LBB1_4:
0x32: {  	v1 =	vld [tilespmem:s20+$0x0];
	p2 =	sne.s32 s19, $0x1FC;
	[tilespmem:s21+$0x0 ss:$0x81] =	vst.msk $0xffff, v0;
	s21 =	smov.u32 s19;
	s19 =	sadd.s32 $0x4, s19  }
.Ltmp3:
0x33: {  	v0 =	vld [tilespmem:s20+$0xFFFFFFF0];
	(pc) =	sbr.rel @p2 .LBB1_4-.Ltmp3, $4  }
0x34: {  	_ = 	snop  }
0x35: {  	s21 =	sshra.s32 s21, $0x2  }
0x36: {  	s21 =	sadd.s32 s21, s18  }
0x37: {  	s20 =	sadd.s32 $0x20, s20;
	[tilespmem:s21+$0x810 ss:$0x81] =	vst.msk $0xffff, v1  }
.Ltmp4:
0x38: {  	(pc) =	sbr.rel @p1 .LBB1_3-.Ltmp4, $2  }
0x39: {  	_ =	sdelay $0x2  }
0x3a: {  	[tilespmem:s21+$0x0 ss:$0x81] =	vst.msk $0xffff, v0;
	s18 =	simm.s32 $0x1;
	p2 =	por $0x0, $0x0  }
0x3b: {  	s16 =	sshll.u32 s13, $0x3;
	s17 =	sand.u32 $0x78, s13;
	s14 =	sshll.u32 s14, $0x10  }
.Ltmp5:
0x3c: {  	s30 =	sand.u32 $0xF800, s13;
	s16 =	sand.u32 $0x3C00, s16;
	(pc) =	sbr.rel .LBB1_7-.Ltmp5, $4  }
0x3d: {  	s31 =	sand.u32 $0x7, s13;
	s14 =	sadd.s32 s3, s14;
	s16 =	sor.u32 s17, s16  }
0x3e: {  	s13 =	sshll.u32 s31, $0x12;
	s14 =	sadd.s32 s30, s14;
	s16 =	sshrl.u32 s16, $0x3  }
0x3f: {  	s13 =	sor.u32 $0x400, s13;
	s14 =	sadd.s32 s16, s14  }
0x40: {  	[hbm4b:s14+s13] =	stream.strided.scatter [tilespmem:s15], [sflag:$0x2], $0x2000, s9, s13, $0x20;
	[tilespmem:$0x8080] =	vst v63  }
.LBB1_8:
0x41: {  	_ =	sfence.sel $0x180000  }
0x42: {  	s2 =	simm.s32 $0x1;
	[bflag:$0x0] =	sbarrier.arrive $0xFFFF  }
0x43: {  	s31 =	simm.s32 $0x2;
	[sflag:s2] =	ssyncpa.u1 $0x1  }
0x44: {  	[sflag:s31] =	ssyncpa.u1 $0x1  }
0x45: {  	p0 =	sne.s32 s0, $0x0;
	_ =	strace $0x9000004A  }
0x46: {  	s0 =	sadd.s32 @!p0 $0x100000, s1;
	[bflag:$0x2] =	sbarrier.arrive $0xFFFF  }
0x47: {  	[sflag:s0] =	ssyncadd.tile.s32 @!p0 $0x1;
	_ =	shalt  }
.Lfunc_end1:
_tile_overlayer_lowered:
.L_overlay_start_2:
0x48: {  	(tag) =	ssettag $0x2  }
0x49: {  	s0 =	rddreg [dreg:$0x0];
	s2 =	stileid.u32  }
0x4a: {  	s1 =	rddreg [dreg:$0x1];
	p0 =	sne.s32 s2, $0x0  }
0x4b: {  	s3 =	rddreg [dreg:$0x2];
	[bflag:$0x3] =	sbarrier.arrive $0xFFFF;
	s2 =	simm.s32 @!p0 $0x1C01  }
0x4c: {  	[timem:s3], [sflag:s2] =	dma.local @!p0 [hbm:s0], s1  }
0x4d: {  	s0 =	simm.s32 @!p0 $0x1  }
0x4e: {  	_ =	swait.ge @!p0 [sflag:s0], s1  }
0x4f: {  	s1 =	ssub.s32 @!p0 $0x0, s1;
	[sflag:s0] =	ssyncset.done @!p0 $0x0  }
0x50: {  	[sflag:s0] =	ssyncadd.s32 @!p0 s1  }
0x51: {  	[bflag:$0x3] =	sbarrier.arrive $0xFFFF  }
0x52: {  	_ =	shalt  }

</sc_bundles>
